<compile_context>
chip_gen: v7x
topology: tpu7x:2x2x1
jax: 0.10.2.dev20260603
libtpu: 0.0.44.dev20260713+nightly
codegen_flags: <defaults>
</compile_context>

<pallas_src>
import functools

import jax
import jax.numpy as jnp
from jax import lax
from jax.experimental import pallas as pl
from jax.experimental.pallas import tpu as pltpu
from jax.experimental.pallas import tpu_sc as plsc

_N = 8192
_E = 8192
_D = 32

_RB = 512
_CB = 2048

_ERB = 1024
_ECB = 2048


def _dist_argmin_kernel(z_ref, cb_ref, zsq_ref, esq_ref,
                        dist_ref, idx_ref, min_scr, arg_scr):
    j = pl.program_id(1)
    ncols = pl.num_programs(1)
    z = z_ref[...]
    cb = cb_ref[...]
    mm = jax.lax.dot_general(z, cb, (((1,), (1,)), ((), ())),
                             preferred_element_type=jnp.float32)
    d = (zsq_ref[...] + esq_ref[...]) - 2.0 * mm
    dist_ref[...] = d

    lmin = jnp.min(d, axis=1, keepdims=True)
    col = jax.lax.broadcasted_iota(jnp.int32, (_RB, _CB), 1) + j * _CB
    larg = jnp.min(jnp.where(d == lmin, col, jnp.int32(2**30)),
                   axis=1, keepdims=True)

    @pl.when(j == 0)
    def _init():
        min_scr[...] = lmin
        arg_scr[...] = larg

    @pl.when(j > 0)
    def _update():
        better = lmin < min_scr[...]
        arg_scr[...] = jnp.where(better, larg, arg_scr[...])
        min_scr[...] = jnp.where(better, lmin, min_scr[...])

    @pl.when(j == ncols - 1)
    def _emit():
        idx_ref[...] = arg_scr[...]


def _encodings_kernel(idx_ref, enc_ref):
    j = pl.program_id(1)
    col = jax.lax.broadcasted_iota(jnp.int32, (_ERB, _ECB), 1) + j * _ECB
    enc_ref[...] = (idx_ref[...] == col).astype(jnp.float32)


_NC = 2
_NS = 16
_NW = _NC * _NS
_RPW = _N // _NW
_ZW = 65536
_NCOPY = (_RPW * _E) // _ZW
_BURST = 16


def _enc_sc_body(idx_hbm, out_hbm, zbuf, idxv, ones_v, zsem, ssem):
    wid = lax.axis_index("s") * _NC + lax.axis_index("c")
    base_row = wid * _RPW
    base_elem = base_row * _E

    zero16 = jnp.zeros((16,), jnp.float32)

    def _zinit(i, carry):
        for u in range(8):
            zbuf[pl.ds((i * 8 + u) * 16, 16)] = zero16
        return carry

    lax.fori_loop(0, _ZW // 128, _zinit, 0)
    ones_v[...] = jnp.full((16,), 1.0, jnp.float32)
    pltpu.sync_copy(idx_hbm.at[pl.ds(base_row, _RPW)], idxv)

    def _zfill(g, carry):
        for u in range(_BURST):
            pltpu.async_copy(
                zbuf,
                out_hbm.at[pl.ds(base_elem + (g * _BURST + u) * _ZW, _ZW)],
                zsem)
        for u in range(_BURST):
            pltpu.make_async_copy(
                zbuf,
                out_hbm.at[pl.ds(base_elem + (g * _BURST + u) * _ZW, _ZW)],
                zsem).wait()
        return carry

    lax.fori_loop(0, _NCOPY // _BURST, _zfill, 0)

    iota16 = lax.iota(jnp.int32, 16)
    for t in range(_RPW // 16):
        idx16 = idxv[pl.ds(t * 16, 16)]
        flat = (iota16 + (base_row + t * 16)) * _E + idx16
        pltpu.async_copy(ones_v, out_hbm.at[flat], ssem).wait()


_enc_sc = functools.partial(
    pl.kernel,
    out_type=jax.ShapeDtypeStruct((_N * _E,), jnp.float32),
    mesh=plsc.VectorSubcoreMesh(
        core_axis_name="c", subcore_axis_name="s",
        num_cores=_NC, num_subcores=_NS),
    scratch_types=[
        pltpu.VMEM((_ZW,), jnp.float32),
        pltpu.VMEM((_RPW,), jnp.int32),
        pltpu.VMEM((16,), jnp.float32),
        pltpu.SemaphoreType.DMA,
        pltpu.SemaphoreType.DMA,
    ],
)(_enc_sc_body)


def kernel(z_e, codebook):
    z_e_nhwc = jnp.transpose(z_e, (0, 2, 3, 1))
    z_flat = z_e_nhwc.reshape(-1, _D)
    z_sq = jnp.sum(z_flat ** 2, axis=1, keepdims=True)
    e_sq = jnp.sum(codebook ** 2, axis=1).reshape(1, _E)

    dist, idx2d = pl.pallas_call(
        _dist_argmin_kernel,
        grid=(_N // _RB, _E // _CB),
        in_specs=[
            pl.BlockSpec((_RB, _D), lambda i, j: (i, 0)),
            pl.BlockSpec((_CB, _D), lambda i, j: (j, 0)),
            pl.BlockSpec((_RB, 1), lambda i, j: (i, 0)),
            pl.BlockSpec((1, _CB), lambda i, j: (0, j)),
        ],
        out_specs=[
            pl.BlockSpec((_RB, _CB), lambda i, j: (i, j)),
            pl.BlockSpec((_RB, 1), lambda i, j: (i, 0)),
        ],
        out_shape=[
            jax.ShapeDtypeStruct((_N, _E), jnp.float32),
            jax.ShapeDtypeStruct((_N, 1), jnp.int32),
        ],
        scratch_shapes=[
            pltpu.VMEM((_RB, 1), jnp.float32),
            pltpu.VMEM((_RB, 1), jnp.int32),
        ],
    )(z_flat, codebook, z_sq, e_sq)

    indices = idx2d.reshape(_N)
    encodings = _enc_sc(indices).reshape(_N, _E)
    return (z_e_nhwc, z_flat, dist, indices, encodings)

# --- scband reference (transcript-rebuilt; emitter-appended) ---
"""Pipeline reference for scband-vector-quantizer-base-77781857731258 (READ-ONLY COPY).

The authoritative reference and input builder live on the scoring server;
editing this copy changes nothing except your own understanding.
"""

import jax, jax.numpy as jnp
import numpy as np

NUM_EMBEDDINGS = 8192
EMBEDDING_DIM = 32

def setup_inputs(seed: int = 0) -> dict:
    key = jax.random.key(seed)
    k1, k2 = jax.random.split(key)
    z_e = jax.random.normal(k1, (8, EMBEDDING_DIM, 32, 32), dtype=jnp.float32)
    codebook = jax.random.normal(k2, (NUM_EMBEDDINGS, EMBEDDING_DIM), dtype=jnp.float32) * 0.02
    return {"z_e": z_e, "codebook": codebook}

def reference(z_e, codebook):
    # _flatten: NCHW -> NHWC, then flatten to [N, D]
    z_e_nhwc = jnp.transpose(z_e, (0, 2, 3, 1))
    z_flat = z_e_nhwc.reshape(-1, EMBEDDING_DIM)
    # _compute_distances: ||z||^2 + ||e||^2 - 2 z e^T
    z_sq = jnp.sum(z_flat ** 2, axis=1, keepdims=True)
    e_sq = jnp.sum(codebook ** 2, axis=1)
    distances = z_sq + e_sq - 2.0 * jnp.matmul(z_flat, codebook.T)
    # argmin over codebook entries
    indices = jnp.argmin(distances, axis=1)
    # _build_encodings: scatter-overwrite 1.0 at (row, index)
    n = z_flat.shape[0]
    encodings = jnp.zeros((n, NUM_EMBEDDINGS), dtype=z_flat.dtype)
    encodings = encodings.at[jnp.arange(n), indices].set(1.0)
    return (z_e_nhwc, z_flat, distances, indices, encodings)

if __name__ == "__main__":
    import jax
    _d = setup_inputs()
    print(jax.jit(kernel)(*tuple(_d.values())))

</pallas_src>

<mosaic_0001>
#map = affine_map<(d0, d1) -> (0)>
module attributes {stable_mosaic.version = 14 : i64} {
  func.func @_enc_sc_body(%arg0: i32, %arg1: i32, %arg2: memref<8192xi32, #tpu.memory_space<hbm>>, %arg3: memref<67108864xf32, #tpu.memory_space<hbm>>, %arg4: memref<65536xf32, #tpu.memory_space<vmem>>, %arg5: memref<256xi32, #tpu.memory_space<vmem>>, %arg6: memref<16xf32, #tpu.memory_space<vmem>>, %arg7: memref<!tpu.dma_semaphore, #tpu.memory_space<semaphore_mem>>, %arg8: memref<!tpu.dma_semaphore, #tpu.memory_space<semaphore_mem>>) attributes {dimension_semantics = [#tpu.dimension_semantics<core_parallel>, #tpu.dimension_semantics<subcore_parallel>], iteration_bounds = array<i64: 2, 16>, scalar_prefetch = 0 : i64, scratch_operands = 5 : i64, tpu.core_type = #tpu.core_type<sc_vector_subcore>, window_params = [{transform_indices = #map}, {transform_indices = #map}]} {
    %mul3A = arith.constant 2 : i32
    %mul3A_0 = arith.muli %arg1, %mul3A : i32
    %add3A = arith.addi %mul3A_0, %arg0 : i32
    %mul3A_1 = arith.constant 256 : i32
    %mul3A_2 = arith.muli %add3A, %mul3A_1 : i32
    %mul3A_3 = arith.constant 8192 : i32
    %mul3A_4 = arith.muli %mul3A_2, %mul3A_3 : i32
    %broadcast_in_dim3A = arith.constant 0.000000e+00 : f32
    %broadcast_in_dim3A_5 = vector.broadcast %broadcast_in_dim3A : f32 to vector<16xf32>
    %scan3A = arith.constant 0 : i32
    %scan3A_6 = arith.constant 0 : i32
    %scan3A_7 = arith.constant 512 : i32
    %scan3A_8 = arith.addi %scan3A_6, %scan3A_7 : i32
    %scan3A_9 = arith.constant 1 : i32
    scf.for %scan3A_259 = %scan3A_6 to %scan3A_8 step %scan3A_9  : i32 {
      %mul3A_260 = arith.constant 8 : i32
      %mul3A_261 = arith.muli %scan3A_259, %mul3A_260 : i32
      %add3A_262 = arith.constant 0 : i32
      %add3A_263 = arith.addi %mul3A_261, %add3A_262 : i32
      %mul3A_264 = arith.constant 16 : i32
      %mul3A_265 = arith.muli %add3A_263, %mul3A_264 : i32
      %swap3A_266 = arith.index_cast %mul3A_265 : i32 to index
      %swap3A_267 = tpu.vector_load %arg4[%swap3A_266] {strides = array<i32>} : memref<65536xf32, #tpu.memory_space<vmem>>, vector<16xf32>,
      %swap3A_268 = vector.shape_cast %swap3A_267 : vector<16xf32> to vector<16xf32>
      %swap3A_269 = vector.shape_cast %broadcast_in_dim3A_5 : vector<16xf32> to vector<16xf32>
      tpu.vector_store %arg4[%swap3A_266], %swap3A_269 {strides = array<i32>} : memref<65536xf32, #tpu.memory_space<vmem>>, vector<16xf32>,
      %mul3A_270 = arith.constant 8 : i32
      %mul3A_271 = arith.muli %scan3A_259, %mul3A_270 : i32
      %add3A_272 = arith.constant 1 : i32
      %add3A_273 = arith.addi %mul3A_271, %add3A_272 : i32
      %mul3A_274 = arith.constant 16 : i32
      %mul3A_275 = arith.muli %add3A_273, %mul3A_274 : i32
      %swap3A_276 = arith.index_cast %mul3A_275 : i32 to index
      %swap3A_277 = tpu.vector_load %arg4[%swap3A_276] {strides = array<i32>} : memref<65536xf32, #tpu.memory_space<vmem>>, vector<16xf32>,
      %swap3A_278 = vector.shape_cast %swap3A_277 : vector<16xf32> to vector<16xf32>
      %swap3A_279 = vector.shape_cast %broadcast_in_dim3A_5 : vector<16xf32> to vector<16xf32>
      tpu.vector_store %arg4[%swap3A_276], %swap3A_279 {strides = array<i32>} : memref<65536xf32, #tpu.memory_space<vmem>>, vector<16xf32>,
      %mul3A_280 = arith.constant 8 : i32
      %mul3A_281 = arith.muli %scan3A_259, %mul3A_280 : i32
      %add3A_282 = arith.constant 2 : i32
      %add3A_283 = arith.addi %mul3A_281, %add3A_282 : i32
      %mul3A_284 = arith.constant 16 : i32
      %mul3A_285 = arith.muli %add3A_283, %mul3A_284 : i32
      %swap3A_286 = arith.index_cast %mul3A_285 : i32 to index
      %swap3A_287 = tpu.vector_load %arg4[%swap3A_286] {strides = array<i32>} : memref<65536xf32, #tpu.memory_space<vmem>>, vector<16xf32>,
      %swap3A_288 = vector.shape_cast %swap3A_287 : vector<16xf32> to vector<16xf32>
      %swap3A_289 = vector.shape_cast %broadcast_in_dim3A_5 : vector<16xf32> to vector<16xf32>
      tpu.vector_store %arg4[%swap3A_286], %swap3A_289 {strides = array<i32>} : memref<65536xf32, #tpu.memory_space<vmem>>, vector<16xf32>,
      %mul3A_290 = arith.constant 8 : i32
      %mul3A_291 = arith.muli %scan3A_259, %mul3A_290 : i32
      %add3A_292 = arith.constant 3 : i32
      %add3A_293 = arith.addi %mul3A_291, %add3A_292 : i32
      %mul3A_294 = arith.constant 16 : i32
      %mul3A_295 = arith.muli %add3A_293, %mul3A_294 : i32
      %swap3A_296 = arith.index_cast %mul3A_295 : i32 to index
      %swap3A_297 = tpu.vector_load %arg4[%swap3A_296] {strides = array<i32>} : memref<65536xf32, #tpu.memory_space<vmem>>, vector<16xf32>,
      %swap3A_298 = vector.shape_cast %swap3A_297 : vector<16xf32> to vector<16xf32>
      %swap3A_299 = vector.shape_cast %broadcast_in_dim3A_5 : vector<16xf32> to vector<16xf32>
      tpu.vector_store %arg4[%swap3A_296], %swap3A_299 {strides = array<i32>} : memref<65536xf32, #tpu.memory_space<vmem>>, vector<16xf32>,
      %mul3A_300 = arith.constant 8 : i32
      %mul3A_301 = arith.muli %scan3A_259, %mul3A_300 : i32
      %add3A_302 = arith.constant 4 : i32
      %add3A_303 = arith.addi %mul3A_301, %add3A_302 : i32
      %mul3A_304 = arith.constant 16 : i32
      %mul3A_305 = arith.muli %add3A_303, %mul3A_304 : i32
      %swap3A_306 = arith.index_cast %mul3A_305 : i32 to index
      %swap3A_307 = tpu.vector_load %arg4[%swap3A_306] {strides = array<i32>} : memref<65536xf32, #tpu.memory_space<vmem>>, vector<16xf32>,
      %swap3A_308 = vector.shape_cast %swap3A_307 : vector<16xf32> to vector<16xf32>
      %swap3A_309 = vector.shape_cast %broadcast_in_dim3A_5 : vector<16xf32> to vector<16xf32>
      tpu.vector_store %arg4[%swap3A_306], %swap3A_309 {strides = array<i32>} : memref<65536xf32, #tpu.memory_space<vmem>>, vector<16xf32>,
      %mul3A_310 = arith.constant 8 : i32
      %mul3A_311 = arith.muli %scan3A_259, %mul3A_310 : i32
      %add3A_312 = arith.constant 5 : i32
      %add3A_313 = arith.addi %mul3A_311, %add3A_312 : i32
      %mul3A_314 = arith.constant 16 : i32
      %mul3A_315 = arith.muli %add3A_313, %mul3A_314 : i32
      %swap3A_316 = arith.index_cast %mul3A_315 : i32 to index
      %swap3A_317 = tpu.vector_load %arg4[%swap3A_316] {strides = array<i32>} : memref<65536xf32, #tpu.memory_space<vmem>>, vector<16xf32>,
      %swap3A_318 = vector.shape_cast %swap3A_317 : vector<16xf32> to vector<16xf32>
      %swap3A_319 = vector.shape_cast %broadcast_in_dim3A_5 : vector<16xf32> to vector<16xf32>
      tpu.vector_store %arg4[%swap3A_316], %swap3A_319 {strides = array<i32>} : memref<65536xf32, #tpu.memory_space<vmem>>, vector<16xf32>,
      %mul3A_320 = arith.constant 8 : i32
      %mul3A_321 = arith.muli %scan3A_259, %mul3A_320 : i32
      %add3A_322 = arith.constant 6 : i32
      %add3A_323 = arith.addi %mul3A_321, %add3A_322 : i32
      %mul3A_324 = arith.constant 16 : i32
      %mul3A_325 = arith.muli %add3A_323, %mul3A_324 : i32
      %swap3A_326 = arith.index_cast %mul3A_325 : i32 to index
      %swap3A_327 = tpu.vector_load %arg4[%swap3A_326] {strides = array<i32>} : memref<65536xf32, #tpu.memory_space<vmem>>, vector<16xf32>,
      %swap3A_328 = vector.shape_cast %swap3A_327 : vector<16xf32> to vector<16xf32>
      %swap3A_329 = vector.shape_cast %broadcast_in_dim3A_5 : vector<16xf32> to vector<16xf32>
      tpu.vector_store %arg4[%swap3A_326], %swap3A_329 {strides = array<i32>} : memref<65536xf32, #tpu.memory_space<vmem>>, vector<16xf32>,
      %mul3A_330 = arith.constant 8 : i32
      %mul3A_331 = arith.muli %scan3A_259, %mul3A_330 : i32
      %add3A_332 = arith.constant 7 : i32
      %add3A_333 = arith.addi %mul3A_331, %add3A_332 : i32
      %mul3A_334 = arith.constant 16 : i32
      %mul3A_335 = arith.muli %add3A_333, %mul3A_334 : i32
      %swap3A_336 = arith.index_cast %mul3A_335 : i32 to index
      %swap3A_337 = tpu.vector_load %arg4[%swap3A_336] {strides = array<i32>} : memref<65536xf32, #tpu.memory_space<vmem>>, vector<16xf32>,
      %swap3A_338 = vector.shape_cast %swap3A_337 : vector<16xf32> to vector<16xf32>
      %swap3A_339 = vector.shape_cast %broadcast_in_dim3A_5 : vector<16xf32> to vector<16xf32>
      tpu.vector_store %arg4[%swap3A_336], %swap3A_339 {strides = array<i32>} : memref<65536xf32, #tpu.memory_space<vmem>>, vector<16xf32>,
    }
    %scan3A_10 = arith.constant 512 : i32
    %broadcast_in_dim3A_11 = arith.constant 1.000000e+00 : f32
    %broadcast_in_dim3A_12 = vector.broadcast %broadcast_in_dim3A_11 : f32 to vector<16xf32>
    %swap3A = arith.constant 0 : index
    %swap3A_13 = tpu.vector_load %arg6[%swap3A] {strides = array<i32>} : memref<16xf32, #tpu.memory_space<vmem>>, vector<16xf32>,
    %swap3A_14 = vector.shape_cast %swap3A_13 : vector<16xf32> to vector<16xf32>
    %swap3A_15 = vector.shape_cast %broadcast_in_dim3A_12 : vector<16xf32> to vector<16xf32>
    tpu.vector_store %arg6[%swap3A], %swap3A_15 {strides = array<i32>} : memref<16xf32, #tpu.memory_space<vmem>>, vector<16xf32>,
    "tpu.region"() ({
      %run_scoped3A = tpu.sem_alloc : memref<!tpu.dma_semaphore, #tpu.memory_space<semaphore_mem>>
      %dma_start3A_259 = tpu.memref_slice %arg2[%mul3A_2] : memref<8192xi32, #tpu.memory_space<hbm>> -> memref<256xi32, #tpu.memory_space<hbm>>
      %dma_start3A_260 = tpu.memref_slice %arg2[%mul3A_2] : memref<8192xi32, #tpu.memory_space<hbm>> -> memref<256xi32, #tpu.memory_space<hbm>>
      tpu.enqueue_dma source(%dma_start3A_260 : memref<256xi32, #tpu.memory_space<hbm>>) target(%arg5 : memref<256xi32, #tpu.memory_space<vmem>>) target_semaphore(%run_scoped3A : memref<!tpu.dma_semaphore, #tpu.memory_space<semaphore_mem>>)
      %dma_wait3A_261 = tpu.memref_slice %arg2[%mul3A_2] : memref<8192xi32, #tpu.memory_space<hbm>> -> memref<256xi32, #tpu.memory_space<hbm>>
      %dma_wait3A_262 = tpu.memref_slice %arg2[%mul3A_2] : memref<8192xi32, #tpu.memory_space<hbm>> -> memref<256xi32, #tpu.memory_space<hbm>>
      tpu.wait_dma2 semaphore(%run_scoped3A : memref<!tpu.dma_semaphore, #tpu.memory_space<semaphore_mem>>) src(%dma_wait3A_262 : memref<256xi32, #tpu.memory_space<hbm>>) dst(%arg5 : memref<256xi32, #tpu.memory_space<vmem>>)
      tpu.yield
    }) : () -> ()
    %scan3A_16 = arith.constant 0 : i32
    %scan3A_17 = arith.constant 0 : i32
    %scan3A_18 = arith.constant 2 : i32
    %scan3A_19 = arith.addi %scan3A_17, %scan3A_18 : i32
    %scan3A_20 = arith.constant 1 : i32
    scf.for %scan3A_259 = %scan3A_17 to %scan3A_19 step %scan3A_20  : i32 {
      %mul3A_260 = arith.constant 16 : i32
      %mul3A_261 = arith.muli %scan3A_259, %mul3A_260 : i32
      %add3A_262 = arith.constant 0 : i32
      %add3A_263 = arith.addi %mul3A_261, %add3A_262 : i32
      %mul3A_264 = arith.constant 65536 : i32
      %mul3A_265 = arith.muli %add3A_263, %mul3A_264 : i32
      %add3A_266 = arith.addi %mul3A_4, %mul3A_265 : i32
      %dma_start3A_267 = tpu.memref_slice %arg3[%add3A_266] : memref<67108864xf32, #tpu.memory_space<hbm>> -> memref<65536xf32, #tpu.memory_space<hbm>>
      %dma_start3A_268 = tpu.memref_slice %arg3[%add3A_266] : memref<67108864xf32, #tpu.memory_space<hbm>> -> memref<65536xf32, #tpu.memory_space<hbm>>
      tpu.enqueue_dma source(%arg4 : memref<65536xf32, #tpu.memory_space<vmem>>) target(%dma_start3A_268 : memref<65536xf32, #tpu.memory_space<hbm>>) target_semaphore(%arg7 : memref<!tpu.dma_semaphore, #tpu.memory_space<semaphore_mem>>)
      %mul3A_269 = arith.constant 16 : i32
      %mul3A_270 = arith.muli %scan3A_259, %mul3A_269 : i32
      %add3A_271 = arith.constant 1 : i32
      %add3A_272 = arith.addi %mul3A_270, %add3A_271 : i32
      %mul3A_273 = arith.constant 65536 : i32
      %mul3A_274 = arith.muli %add3A_272, %mul3A_273 : i32
      %add3A_275 = arith.addi %mul3A_4, %mul3A_274 : i32
      %dma_start3A_276 = tpu.memref_slice %arg3[%add3A_275] : memref<67108864xf32, #tpu.memory_space<hbm>> -> memref<65536xf32, #tpu.memory_space<hbm>>
      %dma_start3A_277 = tpu.memref_slice %arg3[%add3A_275] : memref<67108864xf32, #tpu.memory_space<hbm>> -> memref<65536xf32, #tpu.memory_space<hbm>>
      tpu.enqueue_dma source(%arg4 : memref<65536xf32, #tpu.memory_space<vmem>>) target(%dma_start3A_277 : memref<65536xf32, #tpu.memory_space<hbm>>) target_semaphore(%arg7 : memref<!tpu.dma_semaphore, #tpu.memory_space<semaphore_mem>>)
      %mul3A_278 = arith.constant 16 : i32
      %mul3A_279 = arith.muli %scan3A_259, %mul3A_278 : i32
      %add3A_280 = arith.constant 2 : i32
      %add3A_281 = arith.addi %mul3A_279, %add3A_280 : i32
      %mul3A_282 = arith.constant 65536 : i32
      %mul3A_283 = arith.muli %add3A_281, %mul3A_282 : i32
      %add3A_284 = arith.addi %mul3A_4, %mul3A_283 : i32
      %dma_start3A_285 = tpu.memref_slice %arg3[%add3A_284] : memref<67108864xf32, #tpu.memory_space<hbm>> -> memref<65536xf32, #tpu.memory_space<hbm>>
      %dma_start3A_286 = tpu.memref_slice %arg3[%add3A_284] : memref<67108864xf32, #tpu.memory_space<hbm>> -> memref<65536xf32, #tpu.memory_space<hbm>>
      tpu.enqueue_dma source(%arg4 : memref<65536xf32, #tpu.memory_space<vmem>>) target(%dma_start3A_286 : memref<65536xf32, #tpu.memory_space<hbm>>) target_semaphore(%arg7 : memref<!tpu.dma_semaphore, #tpu.memory_space<semaphore_mem>>)
      %mul3A_287 = arith.constant 16 : i32
      %mul3A_288 = arith.muli %scan3A_259, %mul3A_287 : i32
      %add3A_289 = arith.constant 3 : i32
      %add3A_290 = arith.addi %mul3A_288, %add3A_289 : i32
      %mul3A_291 = arith.constant 65536 : i32
      %mul3A_292 = arith.muli %add3A_290, %mul3A_291 : i32
      %add3A_293 = arith.addi %mul3A_4, %mul3A_292 : i32
      %dma_start3A_294 = tpu.memref_slice %arg3[%add3A_293] : memref<67108864xf32, #tpu.memory_space<hbm>> -> memref<65536xf32, #tpu.memory_space<hbm>>
      %dma_start3A_295 = tpu.memref_slice %arg3[%add3A_293] : memref<67108864xf32, #tpu.memory_space<hbm>> -> memref<65536xf32, #tpu.memory_space<hbm>>
      tpu.enqueue_dma source(%arg4 : memref<65536xf32, #tpu.memory_space<vmem>>) target(%dma_start3A_295 : memref<65536xf32, #tpu.memory_space<hbm>>) target_semaphore(%arg7 : memref<!tpu.dma_semaphore, #tpu.memory_space<semaphore_mem>>)
      %mul3A_296 = arith.constant 16 : i32
      %mul3A_297 = arith.muli %scan3A_259, %mul3A_296 : i32
      %add3A_298 = arith.constant 4 : i32
      %add3A_299 = arith.addi %mul3A_297, %add3A_298 : i32
      %mul3A_300 = arith.constant 65536 : i32
      %mul3A_301 = arith.muli %add3A_299, %mul3A_300 : i32
      %add3A_302 = arith.addi %mul3A_4, %mul3A_301 : i32
      %dma_start3A_303 = tpu.memref_slice %arg3[%add3A_302] : memref<67108864xf32, #tpu.memory_space<hbm>> -> memref<65536xf32, #tpu.memory_space<hbm>>
      %dma_start3A_304 = tpu.memref_slice %arg3[%add3A_302] : memref<67108864xf32, #tpu.memory_space<hbm>> -> memref<65536xf32, #tpu.memory_space<hbm>>
      tpu.enqueue_dma source(%arg4 : memref<65536xf32, #tpu.memory_space<vmem>>) target(%dma_start3A_304 : memref<65536xf32, #tpu.memory_space<hbm>>) target_semaphore(%arg7 : memref<!tpu.dma_semaphore, #tpu.memory_space<semaphore_mem>>)
      %mul3A_305 = arith.constant 16 : i32
      %mul3A_306 = arith.muli %scan3A_259, %mul3A_305 : i32
      %add3A_307 = arith.constant 5 : i32
      %add3A_308 = arith.addi %mul3A_306, %add3A_307 : i32
      %mul3A_309 = arith.constant 65536 : i32
      %mul3A_310 = arith.muli %add3A_308, %mul3A_309 : i32
      %add3A_311 = arith.addi %mul3A_4, %mul3A_310 : i32
      %dma_start3A_312 = tpu.memref_slice %arg3[%add3A_311] : memref<67108864xf32, #tpu.memory_space<hbm>> -> memref<65536xf32, #tpu.memory_space<hbm>>
      %dma_start3A_313 = tpu.memref_slice %arg3[%add3A_311] : memref<67108864xf32, #tpu.memory_space<hbm>> -> memref<65536xf32, #tpu.memory_space<hbm>>
      tpu.enqueue_dma source(%arg4 : memref<65536xf32, #tpu.memory_space<vmem>>) target(%dma_start3A_313 : memref<65536xf32, #tpu.memory_space<hbm>>) target_semaphore(%arg7 : memref<!tpu.dma_semaphore, #tpu.memory_space<semaphore_mem>>)
      %mul3A_314 = arith.constant 16 : i32
      %mul3A_315 = arith.muli %scan3A_259, %mul3A_314 : i32
      %add3A_316 = arith.constant 6 : i32
      %add3A_317 = arith.addi %mul3A_315, %add3A_316 : i32
      %mul3A_318 = arith.constant 65536 : i32
      %mul3A_319 = arith.muli %add3A_317, %mul3A_318 : i32
      %add3A_320 = arith.addi %mul3A_4, %mul3A_319 : i32
      %dma_start3A_321 = tpu.memref_slice %arg3[%add3A_320] : memref<67108864xf32, #tpu.memory_space<hbm>> -> memref<65536xf32, #tpu.memory_space<hbm>>
      %dma_start3A_322 = tpu.memref_slice %arg3[%add3A_320] : memref<67108864xf32, #tpu.memory_space<hbm>> -> memref<65536xf32, #tpu.memory_space<hbm>>
      tpu.enqueue_dma source(%arg4 : memref<65536xf32, #tpu.memory_space<vmem>>) target(%dma_start3A_322 : memref<65536xf32, #tpu.memory_space<hbm>>) target_semaphore(%arg7 : memref<!tpu.dma_semaphore, #tpu.memory_space<semaphore_mem>>)
      %mul3A_323 = arith.constant 16 : i32
      %mul3A_324 = arith.muli %scan3A_259, %mul3A_323 : i32
      %add3A_325 = arith.constant 7 : i32
      %add3A_326 = arith.addi %mul3A_324, %add3A_325 : i32
      %mul3A_327 = arith.constant 65536 : i32
      %mul3A_328 = arith.muli %add3A_326, %mul3A_327 : i32
      %add3A_329 = arith.addi %mul3A_4, %mul3A_328 : i32
      %dma_start3A_330 = tpu.memref_slice %arg3[%add3A_329] : memref<67108864xf32, #tpu.memory_space<hbm>> -> memref<65536xf32, #tpu.memory_space<hbm>>
      %dma_start3A_331 = tpu.memref_slice %arg3[%add3A_329] : memref<67108864xf32, #tpu.memory_space<hbm>> -> memref<65536xf32, #tpu.memory_space<hbm>>
      tpu.enqueue_dma source(%arg4 : memref<65536xf32, #tpu.memory_space<vmem>>) target(%dma_start3A_331 : memref<65536xf32, #tpu.memory_space<hbm>>) target_semaphore(%arg7 : memref<!tpu.dma_semaphore, #tpu.memory_space<semaphore_mem>>)
      %mul3A_332 = arith.constant 16 : i32
      %mul3A_333 = arith.muli %scan3A_259, %mul3A_332 : i32
      %add3A_334 = arith.constant 8 : i32
      %add3A_335 = arith.addi %mul3A_333, %add3A_334 : i32
      %mul3A_336 = arith.constant 65536 : i32
      %mul3A_337 = arith.muli %add3A_335, %mul3A_336 : i32
      %add3A_338 = arith.addi %mul3A_4, %mul3A_337 : i32
      %dma_start3A_339 = tpu.memref_slice %arg3[%add3A_338] : memref<67108864xf32, #tpu.memory_space<hbm>> -> memref<65536xf32, #tpu.memory_space<hbm>>
      %dma_start3A_340 = tpu.memref_slice %arg3[%add3A_338] : memref<67108864xf32, #tpu.memory_space<hbm>> -> memref<65536xf32, #tpu.memory_space<hbm>>
      tpu.enqueue_dma source(%arg4 : memref<65536xf32, #tpu.memory_space<vmem>>) target(%dma_start3A_340 : memref<65536xf32, #tpu.memory_space<hbm>>) target_semaphore(%arg7 : memref<!tpu.dma_semaphore, #tpu.memory_space<semaphore_mem>>)
      %mul3A_341 = arith.constant 16 : i32
      %mul3A_342 = arith.muli %scan3A_259, %mul3A_341 : i32
      %add3A_343 = arith.constant 9 : i32
      %add3A_344 = arith.addi %mul3A_342, %add3A_343 : i32
      %mul3A_345 = arith.constant 65536 : i32
      %mul3A_346 = arith.muli %add3A_344, %mul3A_345 : i32
      %add3A_347 = arith.addi %mul3A_4, %mul3A_346 : i32
      %dma_start3A_348 = tpu.memref_slice %arg3[%add3A_347] : memref<67108864xf32, #tpu.memory_space<hbm>> -> memref<65536xf32, #tpu.memory_space<hbm>>
      %dma_start3A_349 = tpu.memref_slice %arg3[%add3A_347] : memref<67108864xf32, #tpu.memory_space<hbm>> -> memref<65536xf32, #tpu.memory_space<hbm>>
      tpu.enqueue_dma source(%arg4 : memref<65536xf32, #tpu.memory_space<vmem>>) target(%dma_start3A_349 : memref<65536xf32, #tpu.memory_space<hbm>>) target_semaphore(%arg7 : memref<!tpu.dma_semaphore, #tpu.memory_space<semaphore_mem>>)
      %mul3A_350 = arith.constant 16 : i32
      %mul3A_351 = arith.muli %scan3A_259, %mul3A_350 : i32
      %add3A_352 = arith.constant 10 : i32
      %add3A_353 = arith.addi %mul3A_351, %add3A_352 : i32
      %mul3A_354 = arith.constant 65536 : i32
      %mul3A_355 = arith.muli %add3A_353, %mul3A_354 : i32
      %add3A_356 = arith.addi %mul3A_4, %mul3A_355 : i32
      %dma_start3A_357 = tpu.memref_slice %arg3[%add3A_356] : memref<67108864xf32, #tpu.memory_space<hbm>> -> memref<65536xf32, #tpu.memory_space<hbm>>
      %dma_start3A_358 = tpu.memref_slice %arg3[%add3A_356] : memref<67108864xf32, #tpu.memory_space<hbm>> -> memref<65536xf32, #tpu.memory_space<hbm>>
      tpu.enqueue_dma source(%arg4 : memref<65536xf32, #tpu.memory_space<vmem>>) target(%dma_start3A_358 : memref<65536xf32, #tpu.memory_space<hbm>>) target_semaphore(%arg7 : memref<!tpu.dma_semaphore, #tpu.memory_space<semaphore_mem>>)
      %mul3A_359 = arith.constant 16 : i32
      %mul3A_360 = arith.muli %scan3A_259, %mul3A_359 : i32
      %add3A_361 = arith.constant 11 : i32
      %add3A_362 = arith.addi %mul3A_360, %add3A_361 : i32
      %mul3A_363 = arith.constant 65536 : i32
      %mul3A_364 = arith.muli %add3A_362, %mul3A_363 : i32
      %add3A_365 = arith.addi %mul3A_4, %mul3A_364 : i32
      %dma_start3A_366 = tpu.memref_slice %arg3[%add3A_365] : memref<67108864xf32, #tpu.memory_space<hbm>> -> memref<65536xf32, #tpu.memory_space<hbm>>
      %dma_start3A_367 = tpu.memref_slice %arg3[%add3A_365] : memref<67108864xf32, #tpu.memory_space<hbm>> -> memref<65536xf32, #tpu.memory_space<hbm>>
      tpu.enqueue_dma source(%arg4 : memref<65536xf32, #tpu.memory_space<vmem>>) target(%dma_start3A_367 : memref<65536xf32, #tpu.memory_space<hbm>>) target_semaphore(%arg7 : memref<!tpu.dma_semaphore, #tpu.memory_space<semaphore_mem>>)
      %mul3A_368 = arith.constant 16 : i32
      %mul3A_369 = arith.muli %scan3A_259, %mul3A_368 : i32
      %add3A_370 = arith.constant 12 : i32
      %add3A_371 = arith.addi %mul3A_369, %add3A_370 : i32
      %mul3A_372 = arith.constant 65536 : i32
      %mul3A_373 = arith.muli %add3A_371, %mul3A_372 : i32
      %add3A_374 = arith.addi %mul3A_4, %mul3A_373 : i32
      %dma_start3A_375 = tpu.memref_slice %arg3[%add3A_374] : memref<67108864xf32, #tpu.memory_space<hbm>> -> memref<65536xf32, #tpu.memory_space<hbm>>
      %dma_start3A_376 = tpu.memref_slice %arg3[%add3A_374] : memref<67108864xf32, #tpu.memory_space<hbm>> -> memref<65536xf32, #tpu.memory_space<hbm>>
      tpu.enqueue_dma source(%arg4 : memref<65536xf32, #tpu.memory_space<vmem>>) target(%dma_start3A_376 : memref<65536xf32, #tpu.memory_space<hbm>>) target_semaphore(%arg7 : memref<!tpu.dma_semaphore, #tpu.memory_space<semaphore_mem>>)
      %mul3A_377 = arith.constant 16 : i32
      %mul3A_378 = arith.muli %scan3A_259, %mul3A_377 : i32
      %add3A_379 = arith.constant 13 : i32
      %add3A_380 = arith.addi %mul3A_378, %add3A_379 : i32
      %mul3A_381 = arith.constant 65536 : i32
      %mul3A_382 = arith.muli %add3A_380, %mul3A_381 : i32
      %add3A_383 = arith.addi %mul3A_4, %mul3A_382 : i32
      %dma_start3A_384 = tpu.memref_slice %arg3[%add3A_383] : memref<67108864xf32, #tpu.memory_space<hbm>> -> memref<65536xf32, #tpu.memory_space<hbm>>
      %dma_start3A_385 = tpu.memref_slice %arg3[%add3A_383] : memref<67108864xf32, #tpu.memory_space<hbm>> -> memref<65536xf32, #tpu.memory_space<hbm>>
      tpu.enqueue_dma source(%arg4 : memref<65536xf32, #tpu.memory_space<vmem>>) target(%dma_start3A_385 : memref<65536xf32, #tpu.memory_space<hbm>>) target_semaphore(%arg7 : memref<!tpu.dma_semaphore, #tpu.memory_space<semaphore_mem>>)
      %mul3A_386 = arith.constant 16 : i32
      %mul3A_387 = arith.muli %scan3A_259, %mul3A_386 : i32
      %add3A_388 = arith.constant 14 : i32
      %add3A_389 = arith.addi %mul3A_387, %add3A_388 : i32
      %mul3A_390 = arith.constant 65536 : i32
      %mul3A_391 = arith.muli %add3A_389, %mul3A_390 : i32
      %add3A_392 = arith.addi %mul3A_4, %mul3A_391 : i32
      %dma_start3A_393 = tpu.memref_slice %arg3[%add3A_392] : memref<67108864xf32, #tpu.memory_space<hbm>> -> memref<65536xf32, #tpu.memory_space<hbm>>
      %dma_start3A_394 = tpu.memref_slice %arg3[%add3A_392] : memref<67108864xf32, #tpu.memory_space<hbm>> -> memref<65536xf32, #tpu.memory_space<hbm>>
      tpu.enqueue_dma source(%arg4 : memref<65536xf32, #tpu.memory_space<vmem>>) target(%dma_start3A_394 : memref<65536xf32, #tpu.memory_space<hbm>>) target_semaphore(%arg7 : memref<!tpu.dma_semaphore, #tpu.memory_space<semaphore_mem>>)
      %mul3A_395 = arith.constant 16 : i32
      %mul3A_396 = arith.muli %scan3A_259, %mul3A_395 : i32
      %add3A_397 = arith.constant 15 : i32
      %add3A_398 = arith.addi %mul3A_396, %add3A_397 : i32
      %mul3A_399 = arith.constant 65536 : i32
      %mul3A_400 = arith.muli %add3A_398, %mul3A_399 : i32
      %add3A_401 = arith.addi %mul3A_4, %mul3A_400 : i32
      %dma_start3A_402 = tpu.memref_slice %arg3[%add3A_401] : memref<67108864xf32, #tpu.memory_space<hbm>> -> memref<65536xf32, #tpu.memory_space<hbm>>
      %dma_start3A_403 = tpu.memref_slice %arg3[%add3A_401] : memref<67108864xf32, #tpu.memory_space<hbm>> -> memref<65536xf32, #tpu.memory_space<hbm>>
      tpu.enqueue_dma source(%arg4 : memref<65536xf32, #tpu.memory_space<vmem>>) target(%dma_start3A_403 : memref<65536xf32, #tpu.memory_space<hbm>>) target_semaphore(%arg7 : memref<!tpu.dma_semaphore, #tpu.memory_space<semaphore_mem>>)
      %mul3A_404 = arith.constant 16 : i32
      %mul3A_405 = arith.muli %scan3A_259, %mul3A_404 : i32
      %add3A_406 = arith.constant 0 : i32
      %add3A_407 = arith.addi %mul3A_405, %add3A_406 : i32
      %mul3A_408 = arith.constant 65536 : i32
      %mul3A_409 = arith.muli %add3A_407, %mul3A_408 : i32
      %add3A_410 = arith.addi %mul3A_4, %mul3A_409 : i32
      %dma_wait3A_411 = tpu.memref_slice %arg3[%add3A_410] : memref<67108864xf32, #tpu.memory_space<hbm>> -> memref<65536xf32, #tpu.memory_space<hbm>>
      %dma_wait3A_412 = tpu.memref_slice %arg3[%add3A_410] : memref<67108864xf32, #tpu.memory_space<hbm>> -> memref<65536xf32, #tpu.memory_space<hbm>>
      tpu.wait_dma2 semaphore(%arg7 : memref<!tpu.dma_semaphore, #tpu.memory_space<semaphore_mem>>) src(%arg4 : memref<65536xf32, #tpu.memory_space<vmem>>) dst(%dma_wait3A_412 : memref<65536xf32, #tpu.memory_space<hbm>>)
      %mul3A_413 = arith.constant 16 : i32
      %mul3A_414 = arith.muli %scan3A_259, %mul3A_413 : i32
      %add3A_415 = arith.constant 1 : i32
      %add3A_416 = arith.addi %mul3A_414, %add3A_415 : i32
      %mul3A_417 = arith.constant 65536 : i32
      %mul3A_418 = arith.muli %add3A_416, %mul3A_417 : i32
      %add3A_419 = arith.addi %mul3A_4, %mul3A_418 : i32
      %dma_wait3A_420 = tpu.memref_slice %arg3[%add3A_419] : memref<67108864xf32, #tpu.memory_space<hbm>> -> memref<65536xf32, #tpu.memory_space<hbm>>
      %dma_wait3A_421 = tpu.memref_slice %arg3[%add3A_419] : memref<67108864xf32, #tpu.memory_space<hbm>> -> memref<65536xf32, #tpu.memory_space<hbm>>
      tpu.wait_dma2 semaphore(%arg7 : memref<!tpu.dma_semaphore, #tpu.memory_space<semaphore_mem>>) src(%arg4 : memref<65536xf32, #tpu.memory_space<vmem>>) dst(%dma_wait3A_421 : memref<65536xf32, #tpu.memory_space<hbm>>)
      %mul3A_422 = arith.constant 16 : i32
      %mul3A_423 = arith.muli %scan3A_259, %mul3A_422 : i32
      %add3A_424 = arith.constant 2 : i32
      %add3A_425 = arith.addi %mul3A_423, %add3A_424 : i32
      %mul3A_426 = arith.constant 65536 : i32
      %mul3A_427 = arith.muli %add3A_425, %mul3A_426 : i32
      %add3A_428 = arith.addi %mul3A_4, %mul3A_427 : i32
      %dma_wait3A_429 = tpu.memref_slice %arg3[%add3A_428] : memref<67108864xf32, #tpu.memory_space<hbm>> -> memref<65536xf32, #tpu.memory_space<hbm>>
      %dma_wait3A_430 = tpu.memref_slice %arg3[%add3A_428] : memref<67108864xf32, #tpu.memory_space<hbm>> -> memref<65536xf32, #tpu.memory_space<hbm>>
      tpu.wait_dma2 semaphore(%arg7 : memref<!tpu.dma_semaphore, #tpu.memory_space<semaphore_mem>>) src(%arg4 : memref<65536xf32, #tpu.memory_space<vmem>>) dst(%dma_wait3A_430 : memref<65536xf32, #tpu.memory_space<hbm>>)
      %mul3A_431 = arith.constant 16 : i32
      %mul3A_432 = arith.muli %scan3A_259, %mul3A_431 : i32
      %add3A_433 = arith.constant 3 : i32
      %add3A_434 = arith.addi %mul3A_432, %add3A_433 : i32
      %mul3A_435 = arith.constant 65536 : i32
      %mul3A_436 = arith.muli %add3A_434, %mul3A_435 : i32
      %add3A_437 = arith.addi %mul3A_4, %mul3A_436 : i32
      %dma_wait3A_438 = tpu.memref_slice %arg3[%add3A_437] : memref<67108864xf32, #tpu.memory_space<hbm>> -> memref<65536xf32, #tpu.memory_space<hbm>>
      %dma_wait3A_439 = tpu.memref_slice %arg3[%add3A_437] : memref<67108864xf32, #tpu.memory_space<hbm>> -> memref<65536xf32, #tpu.memory_space<hbm>>
      tpu.wait_dma2 semaphore(%arg7 : memref<!tpu.dma_semaphore, #tpu.memory_space<semaphore_mem>>) src(%arg4 : memref<65536xf32, #tpu.memory_space<vmem>>) dst(%dma_wait3A_439 : memref<65536xf32, #tpu.memory_space<hbm>>)
      %mul3A_440 = arith.constant 16 : i32
      %mul3A_441 = arith.muli %scan3A_259, %mul3A_440 : i32
      %add3A_442 = arith.constant 4 : i32
      %add3A_443 = arith.addi %mul3A_441, %add3A_442 : i32
      %mul3A_444 = arith.constant 65536 : i32
      %mul3A_445 = arith.muli %add3A_443, %mul3A_444 : i32
      %add3A_446 = arith.addi %mul3A_4, %mul3A_445 : i32
      %dma_wait3A_447 = tpu.memref_slice %arg3[%add3A_446] : memref<67108864xf32, #tpu.memory_space<hbm>> -> memref<65536xf32, #tpu.memory_space<hbm>>
      %dma_wait3A_448 = tpu.memref_slice %arg3[%add3A_446] : memref<67108864xf32, #tpu.memory_space<hbm>> -> memref<65536xf32, #tpu.memory_space<hbm>>
      tpu.wait_dma2 semaphore(%arg7 : memref<!tpu.dma_semaphore, #tpu.memory_space<semaphore_mem>>) src(%arg4 : memref<65536xf32, #tpu.memory_space<vmem>>) dst(%dma_wait3A_448 : memref<65536xf32, #tpu.memory_space<hbm>>)
      %mul3A_449 = arith.constant 16 : i32
      %mul3A_450 = arith.muli %scan3A_259, %mul3A_449 : i32
      %add3A_451 = arith.constant 5 : i32
      %add3A_452 = arith.addi %mul3A_450, %add3A_451 : i32
      %mul3A_453 = arith.constant 65536 : i32
      %mul3A_454 = arith.muli %add3A_452, %mul3A_453 : i32
      %add3A_455 = arith.addi %mul3A_4, %mul3A_454 : i32
      %dma_wait3A_456 = tpu.memref_slice %arg3[%add3A_455] : memref<67108864xf32, #tpu.memory_space<hbm>> -> memref<65536xf32, #tpu.memory_space<hbm>>
      %dma_wait3A_457 = tpu.memref_slice %arg3[%add3A_455] : memref<67108864xf32, #tpu.memory_space<hbm>> -> memref<65536xf32, #tpu.memory_space<hbm>>
      tpu.wait_dma2 semaphore(%arg7 : memref<!tpu.dma_semaphore, #tpu.memory_space<semaphore_mem>>) src(%arg4 : memref<65536xf32, #tpu.memory_space<vmem>>) dst(%dma_wait3A_457 : memref<65536xf32, #tpu.memory_space<hbm>>)
      %mul3A_458 = arith.constant 16 : i32
      %mul3A_459 = arith.muli %scan3A_259, %mul3A_458 : i32
      %add3A_460 = arith.constant 6 : i32
      %add3A_461 = arith.addi %mul3A_459, %add3A_460 : i32
      %mul3A_462 = arith.constant 65536 : i32
      %mul3A_463 = arith.muli %add3A_461, %mul3A_462 : i32
      %add3A_464 = arith.addi %mul3A_4, %mul3A_463 : i32
      %dma_wait3A_465 = tpu.memref_slice %arg3[%add3A_464] : memref<67108864xf32, #tpu.memory_space<hbm>> -> memref<65536xf32, #tpu.memory_space<hbm>>
      %dma_wait3A_466 = tpu.memref_slice %arg3[%add3A_464] : memref<67108864xf32, #tpu.memory_space<hbm>> -> memref<65536xf32, #tpu.memory_space<hbm>>
      tpu.wait_dma2 semaphore(%arg7 : memref<!tpu.dma_semaphore, #tpu.memory_space<semaphore_mem>>) src(%arg4 : memref<65536xf32, #tpu.memory_space<vmem>>) dst(%dma_wait3A_466 : memref<65536xf32, #tpu.memory_space<hbm>>)
      %mul3A_467 = arith.constant 16 : i32
      %mul3A_468 = arith.muli %scan3A_259, %mul3A_467 : i32
      %add3A_469 = arith.constant 7 : i32
      %add3A_470 = arith.addi %mul3A_468, %add3A_469 : i32
      %mul3A_471 = arith.constant 65536 : i32
      %mul3A_472 = arith.muli %add3A_470, %mul3A_471 : i32
      %add3A_473 = arith.addi %mul3A_4, %mul3A_472 : i32
      %dma_wait3A_474 = tpu.memref_slice %arg3[%add3A_473] : memref<67108864xf32, #tpu.memory_space<hbm>> -> memref<65536xf32, #tpu.memory_space<hbm>>
      %dma_wait3A_475 = tpu.memref_slice %arg3[%add3A_473] : memref<67108864xf32, #tpu.memory_space<hbm>> -> memref<65536xf32, #tpu.memory_space<hbm>>
      tpu.wait_dma2 semaphore(%arg7 : memref<!tpu.dma_semaphore, #tpu.memory_space<semaphore_mem>>) src(%arg4 : memref<65536xf32, #tpu.memory_space<vmem>>) dst(%dma_wait3A_475 : memref<65536xf32, #tpu.memory_space<hbm>>)
      %mul3A_476 = arith.constant 16 : i32
      %mul3A_477 = arith.muli %scan3A_259, %mul3A_476 : i32
      %add3A_478 = arith.constant 8 : i32
      %add3A_479 = arith.addi %mul3A_477, %add3A_478 : i32
      %mul3A_480 = arith.constant 65536 : i32
      %mul3A_481 = arith.muli %add3A_479, %mul3A_480 : i32
      %add3A_482 = arith.addi %mul3A_4, %mul3A_481 : i32
      %dma_wait3A_483 = tpu.memref_slice %arg3[%add3A_482] : memref<67108864xf32, #tpu.memory_space<hbm>> -> memref<65536xf32, #tpu.memory_space<hbm>>
      %dma_wait3A_484 = tpu.memref_slice %arg3[%add3A_482] : memref<67108864xf32, #tpu.memory_space<hbm>> -> memref<65536xf32, #tpu.memory_space<hbm>>
      tpu.wait_dma2 semaphore(%arg7 : memref<!tpu.dma_semaphore, #tpu.memory_space<semaphore_mem>>) src(%arg4 : memref<65536xf32, #tpu.memory_space<vmem>>) dst(%dma_wait3A_484 : memref<65536xf32, #tpu.memory_space<hbm>>)
      %mul3A_485 = arith.constant 16 : i32
      %mul3A_486 = arith.muli %scan3A_259, %mul3A_485 : i32
      %add3A_487 = arith.constant 9 : i32
      %add3A_488 = arith.addi %mul3A_486, %add3A_487 : i32
      %mul3A_489 = arith.constant 65536 : i32
      %mul3A_490 = arith.muli %add3A_488, %mul3A_489 : i32
      %add3A_491 = arith.addi %mul3A_4, %mul3A_490 : i32
      %dma_wait3A_492 = tpu.memref_slice %arg3[%add3A_491] : memref<67108864xf32, #tpu.memory_space<hbm>> -> memref<65536xf32, #tpu.memory_space<hbm>>
      %dma_wait3A_493 = tpu.memref_slice %arg3[%add3A_491] : memref<67108864xf32, #tpu.memory_space<hbm>> -> memref<65536xf32, #tpu.memory_space<hbm>>
      tpu.wait_dma2 semaphore(%arg7 : memref<!tpu.dma_semaphore, #tpu.memory_space<semaphore_mem>>) src(%arg4 : memref<65536xf32, #tpu.memory_space<vmem>>) dst(%dma_wait3A_493 : memref<65536xf32, #tpu.memory_space<hbm>>)
      %mul3A_494 = arith.constant 16 : i32
      %mul3A_495 = arith.muli %scan3A_259, %mul3A_494 : i32
      %add3A_496 = arith.constant 10 : i32
      %add3A_497 = arith.addi %mul3A_495, %add3A_496 : i32
      %mul3A_498 = arith.constant 65536 : i32
      %mul3A_499 = arith.muli %add3A_497, %mul3A_498 : i32
      %add3A_500 = arith.addi %mul3A_4, %mul3A_499 : i32
      %dma_wait3A_501 = tpu.memref_slice %arg3[%add3A_500] : memref<67108864xf32, #tpu.memory_space<hbm>> -> memref<65536xf32, #tpu.memory_space<hbm>>
      %dma_wait3A_502 = tpu.memref_slice %arg3[%add3A_500] : memref<67108864xf32, #tpu.memory_space<hbm>> -> memref<65536xf32, #tpu.memory_space<hbm>>
      tpu.wait_dma2 semaphore(%arg7 : memref<!tpu.dma_semaphore, #tpu.memory_space<semaphore_mem>>) src(%arg4 : memref<65536xf32, #tpu.memory_space<vmem>>) dst(%dma_wait3A_502 : memref<65536xf32, #tpu.memory_space<hbm>>)
      %mul3A_503 = arith.constant 16 : i32
      %mul3A_504 = arith.muli %scan3A_259, %mul3A_503 : i32
      %add3A_505 = arith.constant 11 : i32
      %add3A_506 = arith.addi %mul3A_504, %add3A_505 : i32
      %mul3A_507 = arith.constant 65536 : i32
      %mul3A_508 = arith.muli %add3A_506, %mul3A_507 : i32
      %add3A_509 = arith.addi %mul3A_4, %mul3A_508 : i32
      %dma_wait3A_510 = tpu.memref_slice %arg3[%add3A_509] : memref<67108864xf32, #tpu.memory_space<hbm>> -> memref<65536xf32, #tpu.memory_space<hbm>>
      %dma_wait3A_511 = tpu.memref_slice %arg3[%add3A_509] : memref<67108864xf32, #tpu.memory_space<hbm>> -> memref<65536xf32, #tpu.memory_space<hbm>>
      tpu.wait_dma2 semaphore(%arg7 : memref<!tpu.dma_semaphore, #tpu.memory_space<semaphore_mem>>) src(%arg4 : memref<65536xf32, #tpu.memory_space<vmem>>) dst(%dma_wait3A_511 : memref<65536xf32, #tpu.memory_space<hbm>>)
      %mul3A_512 = arith.constant 16 : i32
      %mul3A_513 = arith.muli %scan3A_259, %mul3A_512 : i32
      %add3A_514 = arith.constant 12 : i32
      %add3A_515 = arith.addi %mul3A_513, %add3A_514 : i32
      %mul3A_516 = arith.constant 65536 : i32
      %mul3A_517 = arith.muli %add3A_515, %mul3A_516 : i32
      %add3A_518 = arith.addi %mul3A_4, %mul3A_517 : i32
      %dma_wait3A_519 = tpu.memref_slice %arg3[%add3A_518] : memref<67108864xf32, #tpu.memory_space<hbm>> -> memref<65536xf32, #tpu.memory_space<hbm>>
      %dma_wait3A_520 = tpu.memref_slice %arg3[%add3A_518] : memref<67108864xf32, #tpu.memory_space<hbm>> -> memref<65536xf32, #tpu.memory_space<hbm>>
      tpu.wait_dma2 semaphore(%arg7 : memref<!tpu.dma_semaphore, #tpu.memory_space<semaphore_mem>>) src(%arg4 : memref<65536xf32, #tpu.memory_space<vmem>>) dst(%dma_wait3A_520 : memref<65536xf32, #tpu.memory_space<hbm>>)
      %mul3A_521 = arith.constant 16 : i32
      %mul3A_522 = arith.muli %scan3A_259, %mul3A_521 : i32
      %add3A_523 = arith.constant 13 : i32
      %add3A_524 = arith.addi %mul3A_522, %add3A_523 : i32
      %mul3A_525 = arith.constant 65536 : i32
      %mul3A_526 = arith.muli %add3A_524, %mul3A_525 : i32
      %add3A_527 = arith.addi %mul3A_4, %mul3A_526 : i32
      %dma_wait3A_528 = tpu.memref_slice %arg3[%add3A_527] : memref<67108864xf32, #tpu.memory_space<hbm>> -> memref<65536xf32, #tpu.memory_space<hbm>>
      %dma_wait3A_529 = tpu.memref_slice %arg3[%add3A_527] : memref<67108864xf32, #tpu.memory_space<hbm>> -> memref<65536xf32, #tpu.memory_space<hbm>>
      tpu.wait_dma2 semaphore(%arg7 : memref<!tpu.dma_semaphore, #tpu.memory_space<semaphore_mem>>) src(%arg4 : memref<65536xf32, #tpu.memory_space<vmem>>) dst(%dma_wait3A_529 : memref<65536xf32, #tpu.memory_space<hbm>>)
      %mul3A_530 = arith.constant 16 : i32
      %mul3A_531 = arith.muli %scan3A_259, %mul3A_530 : i32
      %add3A_532 = arith.constant 14 : i32
      %add3A_533 = arith.addi %mul3A_531, %add3A_532 : i32
      %mul3A_534 = arith.constant 65536 : i32
      %mul3A_535 = arith.muli %add3A_533, %mul3A_534 : i32
      %add3A_536 = arith.addi %mul3A_4, %mul3A_535 : i32
      %dma_wait3A_537 = tpu.memref_slice %arg3[%add3A_536] : memref<67108864xf32, #tpu.memory_space<hbm>> -> memref<65536xf32, #tpu.memory_space<hbm>>
      %dma_wait3A_538 = tpu.memref_slice %arg3[%add3A_536] : memref<67108864xf32, #tpu.memory_space<hbm>> -> memref<65536xf32, #tpu.memory_space<hbm>>
      tpu.wait_dma2 semaphore(%arg7 : memref<!tpu.dma_semaphore, #tpu.memory_space<semaphore_mem>>) src(%arg4 : memref<65536xf32, #tpu.memory_space<vmem>>) dst(%dma_wait3A_538 : memref<65536xf32, #tpu.memory_space<hbm>>)
      %mul3A_539 = arith.constant 16 : i32
      %mul3A_540 = arith.muli %scan3A_259, %mul3A_539 : i32
      %add3A_541 = arith.constant 15 : i32
      %add3A_542 = arith.addi %mul3A_540, %add3A_541 : i32
      %mul3A_543 = arith.constant 65536 : i32
      %mul3A_544 = arith.muli %add3A_542, %mul3A_543 : i32
      %add3A_545 = arith.addi %mul3A_4, %mul3A_544 : i32
      %dma_wait3A_546 = tpu.memref_slice %arg3[%add3A_545] : memref<67108864xf32, #tpu.memory_space<hbm>> -> memref<65536xf32, #tpu.memory_space<hbm>>
      %dma_wait3A_547 = tpu.memref_slice %arg3[%add3A_545] : memref<67108864xf32, #tpu.memory_space<hbm>> -> memref<65536xf32, #tpu.memory_space<hbm>>
      tpu.wait_dma2 semaphore(%arg7 : memref<!tpu.dma_semaphore, #tpu.memory_space<semaphore_mem>>) src(%arg4 : memref<65536xf32, #tpu.memory_space<vmem>>) dst(%dma_wait3A_547 : memref<65536xf32, #tpu.memory_space<hbm>>)
    }
    %scan3A_21 = arith.constant 2 : i32
    %iota3A = tpu.iota {dimensions = array<i32: 0>} : vector<16xi32>
    %get3A = arith.constant 0 : index
    %get3A_22 = tpu.vector_load %arg5[%get3A] {strides = array<i32>} : memref<256xi32, #tpu.memory_space<vmem>>, vector<16xi32>,
    %get3A_23 = vector.shape_cast %get3A_22 : vector<16xi32> to vector<16xi32>
    %add3A_24 = arith.constant 0 : i32
    %add3A_25 = arith.addi %mul3A_2, %add3A_24 : i32
    %add3A_26 = vector.broadcast %add3A_25 : i32 to vector<16xi32>
    %add3A_27 = arith.addi %iota3A, %add3A_26 : vector<16xi32>
    %mul3A_28 = arith.constant 8192 : i32
    %mul3A_29 = vector.broadcast %mul3A_28 : i32 to vector<16xi32>
    %mul3A_30 = arith.muli %add3A_27, %mul3A_29 : vector<16xi32>
    %add3A_31 = arith.addi %mul3A_30, %get3A_23 : vector<16xi32>
    %dma_start3A = arith.constant 0 : i32
    %dma_start3A_32 = tpu.memref_slice %arg3[%dma_start3A] : memref<67108864xf32, #tpu.memory_space<hbm>> -> memref<67108864xf32, #tpu.memory_space<hbm>>
    tpu.enqueue_indirect_dma source(%arg6 : memref<16xf32, #tpu.memory_space<vmem>>) target(%dma_start3A_32 : memref<67108864xf32, #tpu.memory_space<hbm>>) offsets(%add3A_31 : vector<16xi32>) semaphore(%arg8 : memref<!tpu.dma_semaphore, #tpu.memory_space<semaphore_mem>>)
    %dma_wait3A = arith.constant 0 : i32
    %dma_wait3A_33 = tpu.memref_slice %arg3[%dma_wait3A] : memref<67108864xf32, #tpu.memory_space<hbm>> -> memref<67108864xf32, #tpu.memory_space<hbm>>
    tpu.wait_indirect_dma semaphore(%arg8 : memref<!tpu.dma_semaphore, #tpu.memory_space<semaphore_mem>>) src(%arg6 : memref<16xf32, #tpu.memory_space<vmem>>) dst(%dma_wait3A_33 : memref<67108864xf32, #tpu.memory_space<hbm>>)
    %get3A_34 = arith.constant 16 : index
    %get3A_35 = tpu.vector_load %arg5[%get3A_34] {strides = array<i32>} : memref<256xi32, #tpu.memory_space<vmem>>, vector<16xi32>,
    %get3A_36 = vector.shape_cast %get3A_35 : vector<16xi32> to vector<16xi32>
    %add3A_37 = arith.constant 16 : i32
    %add3A_38 = arith.addi %mul3A_2, %add3A_37 : i32
    %add3A_39 = vector.broadcast %add3A_38 : i32 to vector<16xi32>
    %add3A_40 = arith.addi %iota3A, %add3A_39 : vector<16xi32>
    %mul3A_41 = arith.constant 8192 : i32
    %mul3A_42 = vector.broadcast %mul3A_41 : i32 to vector<16xi32>
    %mul3A_43 = arith.muli %add3A_40, %mul3A_42 : vector<16xi32>
    %add3A_44 = arith.addi %mul3A_43, %get3A_36 : vector<16xi32>
    %dma_start3A_45 = arith.constant 0 : i32
    %dma_start3A_46 = tpu.memref_slice %arg3[%dma_start3A_45] : memref<67108864xf32, #tpu.memory_space<hbm>> -> memref<67108864xf32, #tpu.memory_space<hbm>>
    tpu.enqueue_indirect_dma source(%arg6 : memref<16xf32, #tpu.memory_space<vmem>>) target(%dma_start3A_46 : memref<67108864xf32, #tpu.memory_space<hbm>>) offsets(%add3A_44 : vector<16xi32>) semaphore(%arg8 : memref<!tpu.dma_semaphore, #tpu.memory_space<semaphore_mem>>)
    %dma_wait3A_47 = arith.constant 0 : i32
    %dma_wait3A_48 = tpu.memref_slice %arg3[%dma_wait3A_47] : memref<67108864xf32, #tpu.memory_space<hbm>> -> memref<67108864xf32, #tpu.memory_space<hbm>>
    tpu.wait_indirect_dma semaphore(%arg8 : memref<!tpu.dma_semaphore, #tpu.memory_space<semaphore_mem>>) src(%arg6 : memref<16xf32, #tpu.memory_space<vmem>>) dst(%dma_wait3A_48 : memref<67108864xf32, #tpu.memory_space<hbm>>)
    %get3A_49 = arith.constant 32 : index
    %get3A_50 = tpu.vector_load %arg5[%get3A_49] {strides = array<i32>} : memref<256xi32, #tpu.memory_space<vmem>>, vector<16xi32>,
    %get3A_51 = vector.shape_cast %get3A_50 : vector<16xi32> to vector<16xi32>
    %add3A_52 = arith.constant 32 : i32
    %add3A_53 = arith.addi %mul3A_2, %add3A_52 : i32
    %add3A_54 = vector.broadcast %add3A_53 : i32 to vector<16xi32>
    %add3A_55 = arith.addi %iota3A, %add3A_54 : vector<16xi32>
    %mul3A_56 = arith.constant 8192 : i32
    %mul3A_57 = vector.broadcast %mul3A_56 : i32 to vector<16xi32>
    %mul3A_58 = arith.muli %add3A_55, %mul3A_57 : vector<16xi32>
    %add3A_59 = arith.addi %mul3A_58, %get3A_51 : vector<16xi32>
    %dma_start3A_60 = arith.constant 0 : i32
    %dma_start3A_61 = tpu.memref_slice %arg3[%dma_start3A_60] : memref<67108864xf32, #tpu.memory_space<hbm>> -> memref<67108864xf32, #tpu.memory_space<hbm>>
    tpu.enqueue_indirect_dma source(%arg6 : memref<16xf32, #tpu.memory_space<vmem>>) target(%dma_start3A_61 : memref<67108864xf32, #tpu.memory_space<hbm>>) offsets(%add3A_59 : vector<16xi32>) semaphore(%arg8 : memref<!tpu.dma_semaphore, #tpu.memory_space<semaphore_mem>>)
    %dma_wait3A_62 = arith.constant 0 : i32
    %dma_wait3A_63 = tpu.memref_slice %arg3[%dma_wait3A_62] : memref<67108864xf32, #tpu.memory_space<hbm>> -> memref<67108864xf32, #tpu.memory_space<hbm>>
    tpu.wait_indirect_dma semaphore(%arg8 : memref<!tpu.dma_semaphore, #tpu.memory_space<semaphore_mem>>) src(%arg6 : memref<16xf32, #tpu.memory_space<vmem>>) dst(%dma_wait3A_63 : memref<67108864xf32, #tpu.memory_space<hbm>>)
    %get3A_64 = arith.constant 48 : index
    %get3A_65 = tpu.vector_load %arg5[%get3A_64] {strides = array<i32>} : memref<256xi32, #tpu.memory_space<vmem>>, vector<16xi32>,
    %get3A_66 = vector.shape_cast %get3A_65 : vector<16xi32> to vector<16xi32>
    %add3A_67 = arith.constant 48 : i32
    %add3A_68 = arith.addi %mul3A_2, %add3A_67 : i32
    %add3A_69 = vector.broadcast %add3A_68 : i32 to vector<16xi32>
    %add3A_70 = arith.addi %iota3A, %add3A_69 : vector<16xi32>
    %mul3A_71 = arith.constant 8192 : i32
    %mul3A_72 = vector.broadcast %mul3A_71 : i32 to vector<16xi32>
    %mul3A_73 = arith.muli %add3A_70, %mul3A_72 : vector<16xi32>
    %add3A_74 = arith.addi %mul3A_73, %get3A_66 : vector<16xi32>
    %dma_start3A_75 = arith.constant 0 : i32
    %dma_start3A_76 = tpu.memref_slice %arg3[%dma_start3A_75] : memref<67108864xf32, #tpu.memory_space<hbm>> -> memref<67108864xf32, #tpu.memory_space<hbm>>
    tpu.enqueue_indirect_dma source(%arg6 : memref<16xf32, #tpu.memory_space<vmem>>) target(%dma_start3A_76 : memref<67108864xf32, #tpu.memory_space<hbm>>) offsets(%add3A_74 : vector<16xi32>) semaphore(%arg8 : memref<!tpu.dma_semaphore, #tpu.memory_space<semaphore_mem>>)
    %dma_wait3A_77 = arith.constant 0 : i32
    %dma_wait3A_78 = tpu.memref_slice %arg3[%dma_wait3A_77] : memref<67108864xf32, #tpu.memory_space<hbm>> -> memref<67108864xf32, #tpu.memory_space<hbm>>
    tpu.wait_indirect_dma semaphore(%arg8 : memref<!tpu.dma_semaphore, #tpu.memory_space<semaphore_mem>>) src(%arg6 : memref<16xf32, #tpu.memory_space<vmem>>) dst(%dma_wait3A_78 : memref<67108864xf32, #tpu.memory_space<hbm>>)
    %get3A_79 = arith.constant 64 : index
    %get3A_80 = tpu.vector_load %arg5[%get3A_79] {strides = array<i32>} : memref<256xi32, #tpu.memory_space<vmem>>, vector<16xi32>,
    %get3A_81 = vector.shape_cast %get3A_80 : vector<16xi32> to vector<16xi32>
    %add3A_82 = arith.constant 64 : i32
    %add3A_83 = arith.addi %mul3A_2, %add3A_82 : i32
    %add3A_84 = vector.broadcast %add3A_83 : i32 to vector<16xi32>
    %add3A_85 = arith.addi %iota3A, %add3A_84 : vector<16xi32>
    %mul3A_86 = arith.constant 8192 : i32
    %mul3A_87 = vector.broadcast %mul3A_86 : i32 to vector<16xi32>
    %mul3A_88 = arith.muli %add3A_85, %mul3A_87 : vector<16xi32>
    %add3A_89 = arith.addi %mul3A_88, %get3A_81 : vector<16xi32>
    %dma_start3A_90 = arith.constant 0 : i32
    %dma_start3A_91 = tpu.memref_slice %arg3[%dma_start3A_90] : memref<67108864xf32, #tpu.memory_space<hbm>> -> memref<67108864xf32, #tpu.memory_space<hbm>>
    tpu.enqueue_indirect_dma source(%arg6 : memref<16xf32, #tpu.memory_space<vmem>>) target(%dma_start3A_91 : memref<67108864xf32, #tpu.memory_space<hbm>>) offsets(%add3A_89 : vector<16xi32>) semaphore(%arg8 : memref<!tpu.dma_semaphore, #tpu.memory_space<semaphore_mem>>)
    %dma_wait3A_92 = arith.constant 0 : i32
    %dma_wait3A_93 = tpu.memref_slice %arg3[%dma_wait3A_92] : memref<67108864xf32, #tpu.memory_space<hbm>> -> memref<67108864xf32, #tpu.memory_space<hbm>>
    tpu.wait_indirect_dma semaphore(%arg8 : memref<!tpu.dma_semaphore, #tpu.memory_space<semaphore_mem>>) src(%arg6 : memref<16xf32, #tpu.memory_space<vmem>>) dst(%dma_wait3A_93 : memref<67108864xf32, #tpu.memory_space<hbm>>)
    %get3A_94 = arith.constant 80 : index
    %get3A_95 = tpu.vector_load %arg5[%get3A_94] {strides = array<i32>} : memref<256xi32, #tpu.memory_space<vmem>>, vector<16xi32>,
    %get3A_96 = vector.shape_cast %get3A_95 : vector<16xi32> to vector<16xi32>
    %add3A_97 = arith.constant 80 : i32
    %add3A_98 = arith.addi %mul3A_2, %add3A_97 : i32
    %add3A_99 = vector.broadcast %add3A_98 : i32 to vector<16xi32>
    %add3A_100 = arith.addi %iota3A, %add3A_99 : vector<16xi32>
    %mul3A_101 = arith.constant 8192 : i32
    %mul3A_102 = vector.broadcast %mul3A_101 : i32 to vector<16xi32>
    %mul3A_103 = arith.muli %add3A_100, %mul3A_102 : vector<16xi32>
    %add3A_104 = arith.addi %mul3A_103, %get3A_96 : vector<16xi32>
    %dma_start3A_105 = arith.constant 0 : i32
    %dma_start3A_106 = tpu.memref_slice %arg3[%dma_start3A_105] : memref<67108864xf32, #tpu.memory_space<hbm>> -> memref<67108864xf32, #tpu.memory_space<hbm>>
    tpu.enqueue_indirect_dma source(%arg6 : memref<16xf32, #tpu.memory_space<vmem>>) target(%dma_start3A_106 : memref<67108864xf32, #tpu.memory_space<hbm>>) offsets(%add3A_104 : vector<16xi32>) semaphore(%arg8 : memref<!tpu.dma_semaphore, #tpu.memory_space<semaphore_mem>>)
    %dma_wait3A_107 = arith.constant 0 : i32
    %dma_wait3A_108 = tpu.memref_slice %arg3[%dma_wait3A_107] : memref<67108864xf32, #tpu.memory_space<hbm>> -> memref<67108864xf32, #tpu.memory_space<hbm>>
    tpu.wait_indirect_dma semaphore(%arg8 : memref<!tpu.dma_semaphore, #tpu.memory_space<semaphore_mem>>) src(%arg6 : memref<16xf32, #tpu.memory_space<vmem>>) dst(%dma_wait3A_108 : memref<67108864xf32, #tpu.memory_space<hbm>>)
    %get3A_109 = arith.constant 96 : index
    %get3A_110 = tpu.vector_load %arg5[%get3A_109] {strides = array<i32>} : memref<256xi32, #tpu.memory_space<vmem>>, vector<16xi32>,
    %get3A_111 = vector.shape_cast %get3A_110 : vector<16xi32> to vector<16xi32>
    %add3A_112 = arith.constant 96 : i32
    %add3A_113 = arith.addi %mul3A_2, %add3A_112 : i32
    %add3A_114 = vector.broadcast %add3A_113 : i32 to vector<16xi32>
    %add3A_115 = arith.addi %iota3A, %add3A_114 : vector<16xi32>
    %mul3A_116 = arith.constant 8192 : i32
    %mul3A_117 = vector.broadcast %mul3A_116 : i32 to vector<16xi32>
    %mul3A_118 = arith.muli %add3A_115, %mul3A_117 : vector<16xi32>
    %add3A_119 = arith.addi %mul3A_118, %get3A_111 : vector<16xi32>
    %dma_start3A_120 = arith.constant 0 : i32
    %dma_start3A_121 = tpu.memref_slice %arg3[%dma_start3A_120] : memref<67108864xf32, #tpu.memory_space<hbm>> -> memref<67108864xf32, #tpu.memory_space<hbm>>
    tpu.enqueue_indirect_dma source(%arg6 : memref<16xf32, #tpu.memory_space<vmem>>) target(%dma_start3A_121 : memref<67108864xf32, #tpu.memory_space<hbm>>) offsets(%add3A_119 : vector<16xi32>) semaphore(%arg8 : memref<!tpu.dma_semaphore, #tpu.memory_space<semaphore_mem>>)
    %dma_wait3A_122 = arith.constant 0 : i32
    %dma_wait3A_123 = tpu.memref_slice %arg3[%dma_wait3A_122] : memref<67108864xf32, #tpu.memory_space<hbm>> -> memref<67108864xf32, #tpu.memory_space<hbm>>
    tpu.wait_indirect_dma semaphore(%arg8 : memref<!tpu.dma_semaphore, #tpu.memory_space<semaphore_mem>>) src(%arg6 : memref<16xf32, #tpu.memory_space<vmem>>) dst(%dma_wait3A_123 : memref<67108864xf32, #tpu.memory_space<hbm>>)
    %get3A_124 = arith.constant 112 : index
    %get3A_125 = tpu.vector_load %arg5[%get3A_124] {strides = array<i32>} : memref<256xi32, #tpu.memory_space<vmem>>, vector<16xi32>,
    %get3A_126 = vector.shape_cast %get3A_125 : vector<16xi32> to vector<16xi32>
    %add3A_127 = arith.constant 112 : i32
    %add3A_128 = arith.addi %mul3A_2, %add3A_127 : i32
    %add3A_129 = vector.broadcast %add3A_128 : i32 to vector<16xi32>
    %add3A_130 = arith.addi %iota3A, %add3A_129 : vector<16xi32>
    %mul3A_131 = arith.constant 8192 : i32
    %mul3A_132 = vector.broadcast %mul3A_131 : i32 to vector<16xi32>
    %mul3A_133 = arith.muli %add3A_130, %mul3A_132 : vector<16xi32>
    %add3A_134 = arith.addi %mul3A_133, %get3A_126 : vector<16xi32>
    %dma_start3A_135 = arith.constant 0 : i32
    %dma_start3A_136 = tpu.memref_slice %arg3[%dma_start3A_135] : memref<67108864xf32, #tpu.memory_space<hbm>> -> memref<67108864xf32, #tpu.memory_space<hbm>>
    tpu.enqueue_indirect_dma source(%arg6 : memref<16xf32, #tpu.memory_space<vmem>>) target(%dma_start3A_136 : memref<67108864xf32, #tpu.memory_space<hbm>>) offsets(%add3A_134 : vector<16xi32>) semaphore(%arg8 : memref<!tpu.dma_semaphore, #tpu.memory_space<semaphore_mem>>)
    %dma_wait3A_137 = arith.constant 0 : i32
    %dma_wait3A_138 = tpu.memref_slice %arg3[%dma_wait3A_137] : memref<67108864xf32, #tpu.memory_space<hbm>> -> memref<67108864xf32, #tpu.memory_space<hbm>>
    tpu.wait_indirect_dma semaphore(%arg8 : memref<!tpu.dma_semaphore, #tpu.memory_space<semaphore_mem>>) src(%arg6 : memref<16xf32, #tpu.memory_space<vmem>>) dst(%dma_wait3A_138 : memref<67108864xf32, #tpu.memory_space<hbm>>)
    %get3A_139 = arith.constant 128 : index
    %get3A_140 = tpu.vector_load %arg5[%get3A_139] {strides = array<i32>} : memref<256xi32, #tpu.memory_space<vmem>>, vector<16xi32>,
    %get3A_141 = vector.shape_cast %get3A_140 : vector<16xi32> to vector<16xi32>
    %add3A_142 = arith.constant 128 : i32
    %add3A_143 = arith.addi %mul3A_2, %add3A_142 : i32
    %add3A_144 = vector.broadcast %add3A_143 : i32 to vector<16xi32>
    %add3A_145 = arith.addi %iota3A, %add3A_144 : vector<16xi32>
    %mul3A_146 = arith.constant 8192 : i32
    %mul3A_147 = vector.broadcast %mul3A_146 : i32 to vector<16xi32>
    %mul3A_148 = arith.muli %add3A_145, %mul3A_147 : vector<16xi32>
    %add3A_149 = arith.addi %mul3A_148, %get3A_141 : vector<16xi32>
    %dma_start3A_150 = arith.constant 0 : i32
    %dma_start3A_151 = tpu.memref_slice %arg3[%dma_start3A_150] : memref<67108864xf32, #tpu.memory_space<hbm>> -> memref<67108864xf32, #tpu.memory_space<hbm>>
    tpu.enqueue_indirect_dma source(%arg6 : memref<16xf32, #tpu.memory_space<vmem>>) target(%dma_start3A_151 : memref<67108864xf32, #tpu.memory_space<hbm>>) offsets(%add3A_149 : vector<16xi32>) semaphore(%arg8 : memref<!tpu.dma_semaphore, #tpu.memory_space<semaphore_mem>>)
    %dma_wait3A_152 = arith.constant 0 : i32
    %dma_wait3A_153 = tpu.memref_slice %arg3[%dma_wait3A_152] : memref<67108864xf32, #tpu.memory_space<hbm>> -> memref<67108864xf32, #tpu.memory_space<hbm>>
    tpu.wait_indirect_dma semaphore(%arg8 : memref<!tpu.dma_semaphore, #tpu.memory_space<semaphore_mem>>) src(%arg6 : memref<16xf32, #tpu.memory_space<vmem>>) dst(%dma_wait3A_153 : memref<67108864xf32, #tpu.memory_space<hbm>>)
    %get3A_154 = arith.constant 144 : index
    %get3A_155 = tpu.vector_load %arg5[%get3A_154] {strides = array<i32>} : memref<256xi32, #tpu.memory_space<vmem>>, vector<16xi32>,
    %get3A_156 = vector.shape_cast %get3A_155 : vector<16xi32> to vector<16xi32>
    %add3A_157 = arith.constant 144 : i32
    %add3A_158 = arith.addi %mul3A_2, %add3A_157 : i32
    %add3A_159 = vector.broadcast %add3A_158 : i32 to vector<16xi32>
    %add3A_160 = arith.addi %iota3A, %add3A_159 : vector<16xi32>
    %mul3A_161 = arith.constant 8192 : i32
    %mul3A_162 = vector.broadcast %mul3A_161 : i32 to vector<16xi32>
    %mul3A_163 = arith.muli %add3A_160, %mul3A_162 : vector<16xi32>
    %add3A_164 = arith.addi %mul3A_163, %get3A_156 : vector<16xi32>
    %dma_start3A_165 = arith.constant 0 : i32
    %dma_start3A_166 = tpu.memref_slice %arg3[%dma_start3A_165] : memref<67108864xf32, #tpu.memory_space<hbm>> -> memref<67108864xf32, #tpu.memory_space<hbm>>
    tpu.enqueue_indirect_dma source(%arg6 : memref<16xf32, #tpu.memory_space<vmem>>) target(%dma_start3A_166 : memref<67108864xf32, #tpu.memory_space<hbm>>) offsets(%add3A_164 : vector<16xi32>) semaphore(%arg8 : memref<!tpu.dma_semaphore, #tpu.memory_space<semaphore_mem>>)
    %dma_wait3A_167 = arith.constant 0 : i32
    %dma_wait3A_168 = tpu.memref_slice %arg3[%dma_wait3A_167] : memref<67108864xf32, #tpu.memory_space<hbm>> -> memref<67108864xf32, #tpu.memory_space<hbm>>
    tpu.wait_indirect_dma semaphore(%arg8 : memref<!tpu.dma_semaphore, #tpu.memory_space<semaphore_mem>>) src(%arg6 : memref<16xf32, #tpu.memory_space<vmem>>) dst(%dma_wait3A_168 : memref<67108864xf32, #tpu.memory_space<hbm>>)
    %get3A_169 = arith.constant 160 : index
    %get3A_170 = tpu.vector_load %arg5[%get3A_169] {strides = array<i32>} : memref<256xi32, #tpu.memory_space<vmem>>, vector<16xi32>,
    %get3A_171 = vector.shape_cast %get3A_170 : vector<16xi32> to vector<16xi32>
    %add3A_172 = arith.constant 160 : i32
    %add3A_173 = arith.addi %mul3A_2, %add3A_172 : i32
    %add3A_174 = vector.broadcast %add3A_173 : i32 to vector<16xi32>
    %add3A_175 = arith.addi %iota3A, %add3A_174 : vector<16xi32>
    %mul3A_176 = arith.constant 8192 : i32
    %mul3A_177 = vector.broadcast %mul3A_176 : i32 to vector<16xi32>
    %mul3A_178 = arith.muli %add3A_175, %mul3A_177 : vector<16xi32>
    %add3A_179 = arith.addi %mul3A_178, %get3A_171 : vector<16xi32>
    %dma_start3A_180 = arith.constant 0 : i32
    %dma_start3A_181 = tpu.memref_slice %arg3[%dma_start3A_180] : memref<67108864xf32, #tpu.memory_space<hbm>> -> memref<67108864xf32, #tpu.memory_space<hbm>>
    tpu.enqueue_indirect_dma source(%arg6 : memref<16xf32, #tpu.memory_space<vmem>>) target(%dma_start3A_181 : memref<67108864xf32, #tpu.memory_space<hbm>>) offsets(%add3A_179 : vector<16xi32>) semaphore(%arg8 : memref<!tpu.dma_semaphore, #tpu.memory_space<semaphore_mem>>)
    %dma_wait3A_182 = arith.constant 0 : i32
    %dma_wait3A_183 = tpu.memref_slice %arg3[%dma_wait3A_182] : memref<67108864xf32, #tpu.memory_space<hbm>> -> memref<67108864xf32, #tpu.memory_space<hbm>>
    tpu.wait_indirect_dma semaphore(%arg8 : memref<!tpu.dma_semaphore, #tpu.memory_space<semaphore_mem>>) src(%arg6 : memref<16xf32, #tpu.memory_space<vmem>>) dst(%dma_wait3A_183 : memref<67108864xf32, #tpu.memory_space<hbm>>)
    %get3A_184 = arith.constant 176 : index
    %get3A_185 = tpu.vector_load %arg5[%get3A_184] {strides = array<i32>} : memref<256xi32, #tpu.memory_space<vmem>>, vector<16xi32>,
    %get3A_186 = vector.shape_cast %get3A_185 : vector<16xi32> to vector<16xi32>
    %add3A_187 = arith.constant 176 : i32
    %add3A_188 = arith.addi %mul3A_2, %add3A_187 : i32
    %add3A_189 = vector.broadcast %add3A_188 : i32 to vector<16xi32>
    %add3A_190 = arith.addi %iota3A, %add3A_189 : vector<16xi32>
    %mul3A_191 = arith.constant 8192 : i32
    %mul3A_192 = vector.broadcast %mul3A_191 : i32 to vector<16xi32>
    %mul3A_193 = arith.muli %add3A_190, %mul3A_192 : vector<16xi32>
    %add3A_194 = arith.addi %mul3A_193, %get3A_186 : vector<16xi32>
    %dma_start3A_195 = arith.constant 0 : i32
    %dma_start3A_196 = tpu.memref_slice %arg3[%dma_start3A_195] : memref<67108864xf32, #tpu.memory_space<hbm>> -> memref<67108864xf32, #tpu.memory_space<hbm>>
    tpu.enqueue_indirect_dma source(%arg6 : memref<16xf32, #tpu.memory_space<vmem>>) target(%dma_start3A_196 : memref<67108864xf32, #tpu.memory_space<hbm>>) offsets(%add3A_194 : vector<16xi32>) semaphore(%arg8 : memref<!tpu.dma_semaphore, #tpu.memory_space<semaphore_mem>>)
    %dma_wait3A_197 = arith.constant 0 : i32
    %dma_wait3A_198 = tpu.memref_slice %arg3[%dma_wait3A_197] : memref<67108864xf32, #tpu.memory_space<hbm>> -> memref<67108864xf32, #tpu.memory_space<hbm>>
    tpu.wait_indirect_dma semaphore(%arg8 : memref<!tpu.dma_semaphore, #tpu.memory_space<semaphore_mem>>) src(%arg6 : memref<16xf32, #tpu.memory_space<vmem>>) dst(%dma_wait3A_198 : memref<67108864xf32, #tpu.memory_space<hbm>>)
    %get3A_199 = arith.constant 192 : index
    %get3A_200 = tpu.vector_load %arg5[%get3A_199] {strides = array<i32>} : memref<256xi32, #tpu.memory_space<vmem>>, vector<16xi32>,
    %get3A_201 = vector.shape_cast %get3A_200 : vector<16xi32> to vector<16xi32>
    %add3A_202 = arith.constant 192 : i32
    %add3A_203 = arith.addi %mul3A_2, %add3A_202 : i32
    %add3A_204 = vector.broadcast %add3A_203 : i32 to vector<16xi32>
    %add3A_205 = arith.addi %iota3A, %add3A_204 : vector<16xi32>
    %mul3A_206 = arith.constant 8192 : i32
    %mul3A_207 = vector.broadcast %mul3A_206 : i32 to vector<16xi32>
    %mul3A_208 = arith.muli %add3A_205, %mul3A_207 : vector<16xi32>
    %add3A_209 = arith.addi %mul3A_208, %get3A_201 : vector<16xi32>
    %dma_start3A_210 = arith.constant 0 : i32
    %dma_start3A_211 = tpu.memref_slice %arg3[%dma_start3A_210] : memref<67108864xf32, #tpu.memory_space<hbm>> -> memref<67108864xf32, #tpu.memory_space<hbm>>
    tpu.enqueue_indirect_dma source(%arg6 : memref<16xf32, #tpu.memory_space<vmem>>) target(%dma_start3A_211 : memref<67108864xf32, #tpu.memory_space<hbm>>) offsets(%add3A_209 : vector<16xi32>) semaphore(%arg8 : memref<!tpu.dma_semaphore, #tpu.memory_space<semaphore_mem>>)
    %dma_wait3A_212 = arith.constant 0 : i32
    %dma_wait3A_213 = tpu.memref_slice %arg3[%dma_wait3A_212] : memref<67108864xf32, #tpu.memory_space<hbm>> -> memref<67108864xf32, #tpu.memory_space<hbm>>
    tpu.wait_indirect_dma semaphore(%arg8 : memref<!tpu.dma_semaphore, #tpu.memory_space<semaphore_mem>>) src(%arg6 : memref<16xf32, #tpu.memory_space<vmem>>) dst(%dma_wait3A_213 : memref<67108864xf32, #tpu.memory_space<hbm>>)
    %get3A_214 = arith.constant 208 : index
    %get3A_215 = tpu.vector_load %arg5[%get3A_214] {strides = array<i32>} : memref<256xi32, #tpu.memory_space<vmem>>, vector<16xi32>,
    %get3A_216 = vector.shape_cast %get3A_215 : vector<16xi32> to vector<16xi32>
    %add3A_217 = arith.constant 208 : i32
    %add3A_218 = arith.addi %mul3A_2, %add3A_217 : i32
    %add3A_219 = vector.broadcast %add3A_218 : i32 to vector<16xi32>
    %add3A_220 = arith.addi %iota3A, %add3A_219 : vector<16xi32>
    %mul3A_221 = arith.constant 8192 : i32
    %mul3A_222 = vector.broadcast %mul3A_221 : i32 to vector<16xi32>
    %mul3A_223 = arith.muli %add3A_220, %mul3A_222 : vector<16xi32>
    %add3A_224 = arith.addi %mul3A_223, %get3A_216 : vector<16xi32>
    %dma_start3A_225 = arith.constant 0 : i32
    %dma_start3A_226 = tpu.memref_slice %arg3[%dma_start3A_225] : memref<67108864xf32, #tpu.memory_space<hbm>> -> memref<67108864xf32, #tpu.memory_space<hbm>>
    tpu.enqueue_indirect_dma source(%arg6 : memref<16xf32, #tpu.memory_space<vmem>>) target(%dma_start3A_226 : memref<67108864xf32, #tpu.memory_space<hbm>>) offsets(%add3A_224 : vector<16xi32>) semaphore(%arg8 : memref<!tpu.dma_semaphore, #tpu.memory_space<semaphore_mem>>)
    %dma_wait3A_227 = arith.constant 0 : i32
    %dma_wait3A_228 = tpu.memref_slice %arg3[%dma_wait3A_227] : memref<67108864xf32, #tpu.memory_space<hbm>> -> memref<67108864xf32, #tpu.memory_space<hbm>>
    tpu.wait_indirect_dma semaphore(%arg8 : memref<!tpu.dma_semaphore, #tpu.memory_space<semaphore_mem>>) src(%arg6 : memref<16xf32, #tpu.memory_space<vmem>>) dst(%dma_wait3A_228 : memref<67108864xf32, #tpu.memory_space<hbm>>)
    %get3A_229 = arith.constant 224 : index
    %get3A_230 = tpu.vector_load %arg5[%get3A_229] {strides = array<i32>} : memref<256xi32, #tpu.memory_space<vmem>>, vector<16xi32>,
    %get3A_231 = vector.shape_cast %get3A_230 : vector<16xi32> to vector<16xi32>
    %add3A_232 = arith.constant 224 : i32
    %add3A_233 = arith.addi %mul3A_2, %add3A_232 : i32
    %add3A_234 = vector.broadcast %add3A_233 : i32 to vector<16xi32>
    %add3A_235 = arith.addi %iota3A, %add3A_234 : vector<16xi32>
    %mul3A_236 = arith.constant 8192 : i32
    %mul3A_237 = vector.broadcast %mul3A_236 : i32 to vector<16xi32>
    %mul3A_238 = arith.muli %add3A_235, %mul3A_237 : vector<16xi32>
    %add3A_239 = arith.addi %mul3A_238, %get3A_231 : vector<16xi32>
    %dma_start3A_240 = arith.constant 0 : i32
    %dma_start3A_241 = tpu.memref_slice %arg3[%dma_start3A_240] : memref<67108864xf32, #tpu.memory_space<hbm>> -> memref<67108864xf32, #tpu.memory_space<hbm>>
    tpu.enqueue_indirect_dma source(%arg6 : memref<16xf32, #tpu.memory_space<vmem>>) target(%dma_start3A_241 : memref<67108864xf32, #tpu.memory_space<hbm>>) offsets(%add3A_239 : vector<16xi32>) semaphore(%arg8 : memref<!tpu.dma_semaphore, #tpu.memory_space<semaphore_mem>>)
    %dma_wait3A_242 = arith.constant 0 : i32
    %dma_wait3A_243 = tpu.memref_slice %arg3[%dma_wait3A_242] : memref<67108864xf32, #tpu.memory_space<hbm>> -> memref<67108864xf32, #tpu.memory_space<hbm>>
    tpu.wait_indirect_dma semaphore(%arg8 : memref<!tpu.dma_semaphore, #tpu.memory_space<semaphore_mem>>) src(%arg6 : memref<16xf32, #tpu.memory_space<vmem>>) dst(%dma_wait3A_243 : memref<67108864xf32, #tpu.memory_space<hbm>>)
    %get3A_244 = arith.constant 240 : index
    %get3A_245 = tpu.vector_load %arg5[%get3A_244] {strides = array<i32>} : memref<256xi32, #tpu.memory_space<vmem>>, vector<16xi32>,
    %get3A_246 = vector.shape_cast %get3A_245 : vector<16xi32> to vector<16xi32>
    %add3A_247 = arith.constant 240 : i32
    %add3A_248 = arith.addi %mul3A_2, %add3A_247 : i32
    %add3A_249 = vector.broadcast %add3A_248 : i32 to vector<16xi32>
    %add3A_250 = arith.addi %iota3A, %add3A_249 : vector<16xi32>
    %mul3A_251 = arith.constant 8192 : i32
    %mul3A_252 = vector.broadcast %mul3A_251 : i32 to vector<16xi32>
    %mul3A_253 = arith.muli %add3A_250, %mul3A_252 : vector<16xi32>
    %add3A_254 = arith.addi %mul3A_253, %get3A_246 : vector<16xi32>
    %dma_start3A_255 = arith.constant 0 : i32
    %dma_start3A_256 = tpu.memref_slice %arg3[%dma_start3A_255] : memref<67108864xf32, #tpu.memory_space<hbm>> -> memref<67108864xf32, #tpu.memory_space<hbm>>
    tpu.enqueue_indirect_dma source(%arg6 : memref<16xf32, #tpu.memory_space<vmem>>) target(%dma_start3A_256 : memref<67108864xf32, #tpu.memory_space<hbm>>) offsets(%add3A_254 : vector<16xi32>) semaphore(%arg8 : memref<!tpu.dma_semaphore, #tpu.memory_space<semaphore_mem>>)
    %dma_wait3A_257 = arith.constant 0 : i32
    %dma_wait3A_258 = tpu.memref_slice %arg3[%dma_wait3A_257] : memref<67108864xf32, #tpu.memory_space<hbm>> -> memref<67108864xf32, #tpu.memory_space<hbm>>
    tpu.wait_indirect_dma semaphore(%arg8 : memref<!tpu.dma_semaphore, #tpu.memory_space<semaphore_mem>>) src(%arg6 : memref<16xf32, #tpu.memory_space<vmem>>) dst(%dma_wait3A_258 : memref<67108864xf32, #tpu.memory_space<hbm>>)
    return
  }
}

module attributes {stable_mosaic.version = 14 : i64} {
  func.func @_dist_argmin_kernel(%arg0: i32, %arg1: i32, %arg2: memref<512x32xf32, #tpu.memory_space<vmem>>, %arg3: memref<2048x32xf32, #tpu.memory_space<vmem>>, %arg4: memref<512x1xf32, #tpu.memory_space<vmem>>, %arg5: memref<1x2048xf32, #tpu.memory_space<vmem>>, %arg6: memref<512x2048xf32, #tpu.memory_space<vmem>>, %arg7: memref<512x1xi32, #tpu.memory_space<vmem>>, %arg8: memref<512x1xf32, #tpu.memory_space<vmem>>, %arg9: memref<512x1xi32, #tpu.memory_space<vmem>>) attributes {dimension_semantics = [#tpu.dimension_semantics<arbitrary>, #tpu.dimension_semantics<arbitrary>], iteration_bounds = array<i64: 16, 4>, scalar_prefetch = 0 : i64, scratch_operands = 2 : i64, tpu.core_type = #tpu.core_type<tc>, window_params = [{transform_indices = @transform_0, window_bounds = array<i64: 512, 32>}, {transform_indices = @transform_1, window_bounds = array<i64: 2048, 32>}, {transform_indices = @transform_2, window_bounds = array<i64: 512, 1>}, {transform_indices = @transform_3, window_bounds = array<i64: 1, 2048>}, {transform_indices = @transform_4, window_bounds = array<i64: 512, 2048>}, {transform_indices = @transform_5, window_bounds = array<i64: 512, 1>}]} {
    %get3A = arith.constant 0 : index
    %get3A_0 = arith.constant 0 : index
    %get3A_1 = vector.load %arg2[%get3A, %get3A_0] : memref<512x32xf32, #tpu.memory_space<vmem>>, vector<512x32xf32>
    %get3A_2 = arith.constant 0 : index
    %get3A_3 = arith.constant 0 : index
    %get3A_4 = vector.load %arg3[%get3A_2, %get3A_3] : memref<2048x32xf32, #tpu.memory_space<vmem>>, vector<2048x32xf32>
    %dot_general3A = arith.constant dense<0.000000e+00> : vector<512x2048xf32>
    %dot_general3A_5 = tpu.matmul %get3A_1, %get3A_4, %dot_general3A {dimension_numbers = #tpu.dot_dimension_numbers<[1], [1], [0], [0], [0, 0, 1, 0], [], []>, transpose_lhs_hint = false} : vector<512x32xf32>, vector<2048x32xf32>, vector<512x2048xf32> -> vector<512x2048xf32>
    %get3A_6 = arith.constant 0 : index
    %get3A_7 = arith.constant 0 : index
    %get3A_8 = vector.load %arg4[%get3A_6, %get3A_7] : memref<512x1xf32, #tpu.memory_space<vmem>>, vector<512x1xf32>
    %get3A_9 = arith.constant 0 : index
    %get3A_10 = arith.constant 0 : index
    %get3A_11 = vector.load %arg5[%get3A_9, %get3A_10] : memref<1x2048xf32, #tpu.memory_space<vmem>>, vector<1x2048xf32>
    %add3A = vector.broadcast %get3A_8 : vector<512x1xf32> to vector<512x2048xf32>
    %add3A_12 = vector.broadcast %get3A_11 : vector<1x2048xf32> to vector<512x2048xf32>
    %add3A_13 = arith.addf %add3A, %add3A_12 : vector<512x2048xf32>
    %mul3A = arith.constant 2.000000e+00 : f32
    %mul3A_14 = vector.broadcast %mul3A : f32 to vector<512x2048xf32>
    %mul3A_15 = arith.mulf %mul3A_14, %dot_general3A_5 : vector<512x2048xf32>
    %sub3A = arith.subf %add3A_13, %mul3A_15 : vector<512x2048xf32>
    %swap3A = arith.constant 0 : index
    %swap3A_16 = arith.constant 0 : index
    %swap3A_17 = vector.load %arg6[%swap3A, %swap3A_16] : memref<512x2048xf32, #tpu.memory_space<vmem>>, vector<512x2048xf32>
    tpu.vector_store %arg6[%swap3A, %swap3A_16], %sub3A {strides = array<i32>} : memref<512x2048xf32, #tpu.memory_space<vmem>>, vector<512x2048xf32>,
    %reduce_min3A = arith.constant dense<0x7F800000> : vector<512xf32>
    %reduce_min3A_18 = vector.multi_reduction <minimumf>, %sub3A, %reduce_min3A [1] : vector<512x2048xf32> to vector<512xf32>
    %broadcast_in_dim3A = vector.shape_cast %reduce_min3A_18 : vector<512xf32> to vector<512x1xf32>
    %iota3A = tpu.iota {dimensions = array<i32: 1>} : vector<512x2048xi32>
    %mul3A_19 = arith.constant 2048 : i32
    %mul3A_20 = arith.muli %arg1, %mul3A_19 : i32
    %add3A_21 = vector.broadcast %mul3A_20 : i32 to vector<512x2048xi32>
    %add3A_22 = arith.addi %iota3A, %add3A_21 : vector<512x2048xi32>
    %eq3A = vector.broadcast %broadcast_in_dim3A : vector<512x1xf32> to vector<512x2048xf32>
    %eq3A_23 = arith.cmpf oeq, %sub3A, %eq3A : vector<512x2048xf32>
    %jit3A = arith.constant 1073741824 : i32
    %broadcast_in_dim3A_24 = vector.broadcast %jit3A : i32 to vector<512x2048xi32>
    %select_n3A = arith.select %eq3A_23, %add3A_22, %broadcast_in_dim3A_24 : vector<512x2048xi1>, vector<512x2048xi32>
    %reduce_min3A_25 = arith.constant dense<2147483647> : vector<512xi32>
    %reduce_min3A_26 = vector.multi_reduction <minsi>, %select_n3A, %reduce_min3A_25 [1] : vector<512x2048xi32> to vector<512xi32>
    %broadcast_in_dim3A_27 = vector.shape_cast %reduce_min3A_26 : vector<512xi32> to vector<512x1xi32>
    %eq3A_28 = arith.constant 0 : i32
    %eq3A_29 = arith.cmpi eq, %arg1, %eq3A_28 : i32
    %convert_element_type3A = arith.extui %eq3A_29 : i1 to i32
    %cond3A = arith.constant 0 : i32
    %cond3A_30 = arith.cmpi ne, %convert_element_type3A, %cond3A : i32
    scf.if %cond3A_30 {
      %swap3A_40 = arith.constant 0 : index
      %swap3A_41 = arith.constant 0 : index
      %swap3A_42 = vector.load %arg8[%swap3A_40, %swap3A_41] : memref<512x1xf32, #tpu.memory_space<vmem>>, vector<512x1xf32>
      tpu.vector_store %arg8[%swap3A_40, %swap3A_41], %broadcast_in_dim3A {strides = array<i32>} : memref<512x1xf32, #tpu.memory_space<vmem>>, vector<512x1xf32>,
      %swap3A_43 = arith.constant 0 : index
      %swap3A_44 = arith.constant 0 : index
      %swap3A_45 = vector.load %arg9[%swap3A_43, %swap3A_44] : memref<512x1xi32, #tpu.memory_space<vmem>>, vector<512x1xi32>
      tpu.vector_store %arg9[%swap3A_43, %swap3A_44], %broadcast_in_dim3A_27 {strides = array<i32>} : memref<512x1xi32, #tpu.memory_space<vmem>>, vector<512x1xi32>,
    } else {
    }
    %gt3A = arith.constant 0 : i32
    %gt3A_31 = arith.cmpi sgt, %arg1, %gt3A : i32
    %convert_element_type3A_32 = arith.extui %gt3A_31 : i1 to i32
    %cond3A_33 = arith.constant 0 : i32
    %cond3A_34 = arith.cmpi ne, %convert_element_type3A_32, %cond3A_33 : i32
    scf.if %cond3A_34 {
      %get3A_40 = arith.constant 0 : index
      %get3A_41 = arith.constant 0 : index
      %get3A_42 = vector.load %arg8[%get3A_40, %get3A_41] : memref<512x1xf32, #tpu.memory_space<vmem>>, vector<512x1xf32>
      %lt3A = arith.cmpf olt, %broadcast_in_dim3A, %get3A_42 : vector<512x1xf32>
      %get3A_43 = arith.constant 0 : index
      %get3A_44 = arith.constant 0 : index
      %get3A_45 = vector.load %arg9[%get3A_43, %get3A_44] : memref<512x1xi32, #tpu.memory_space<vmem>>, vector<512x1xi32>
      %select_n3A_46 = arith.select %lt3A, %broadcast_in_dim3A_27, %get3A_45 : vector<512x1xi1>, vector<512x1xi32>
      %swap3A_47 = arith.constant 0 : index
      %swap3A_48 = arith.constant 0 : index
      %swap3A_49 = vector.load %arg9[%swap3A_47, %swap3A_48] : memref<512x1xi32, #tpu.memory_space<vmem>>, vector<512x1xi32>
      tpu.vector_store %arg9[%swap3A_47, %swap3A_48], %select_n3A_46 {strides = array<i32>} : memref<512x1xi32, #tpu.memory_space<vmem>>, vector<512x1xi32>,
      %get3A_50 = arith.constant 0 : index
      %get3A_51 = arith.constant 0 : index
      %get3A_52 = vector.load %arg8[%get3A_50, %get3A_51] : memref<512x1xf32, #tpu.memory_space<vmem>>, vector<512x1xf32>
      %select_n3A_53 = arith.select %lt3A, %broadcast_in_dim3A, %get3A_52 : vector<512x1xi1>, vector<512x1xf32>
      %swap3A_54 = arith.constant 0 : index
      %swap3A_55 = arith.constant 0 : index
      %swap3A_56 = vector.load %arg8[%swap3A_54, %swap3A_55] : memref<512x1xf32, #tpu.memory_space<vmem>>, vector<512x1xf32>
      tpu.vector_store %arg8[%swap3A_54, %swap3A_55], %select_n3A_53 {strides = array<i32>} : memref<512x1xf32, #tpu.memory_space<vmem>>, vector<512x1xf32>,
    } else {
    }
    %eq3A_35 = arith.constant 3 : i32
    %eq3A_36 = arith.cmpi eq, %arg1, %eq3A_35 : i32
    %convert_element_type3A_37 = arith.extui %eq3A_36 : i1 to i32
    %cond3A_38 = arith.constant 0 : i32
    %cond3A_39 = arith.cmpi ne, %convert_element_type3A_37, %cond3A_38 : i32
    scf.if %cond3A_39 {
      %get3A_40 = arith.constant 0 : index
      %get3A_41 = arith.constant 0 : index
      %get3A_42 = vector.load %arg9[%get3A_40, %get3A_41] : memref<512x1xi32, #tpu.memory_space<vmem>>, vector<512x1xi32>
      %swap3A_43 = arith.constant 0 : index
      %swap3A_44 = arith.constant 0 : index
      %swap3A_45 = vector.load %arg7[%swap3A_43, %swap3A_44] : memref<512x1xi32, #tpu.memory_space<vmem>>, vector<512x1xi32>
      tpu.vector_store %arg7[%swap3A_43, %swap3A_44], %get3A_42 {strides = array<i32>} : memref<512x1xi32, #tpu.memory_space<vmem>>, vector<512x1xi32>,
    } else {
    }
    return
  }
  func.func @transform_0(%arg0: i32, %arg1: i32) -> (i32, i32) {
    %c0_i32 = arith.constant 0 : i32
    %c0_i32_0 = arith.constant 0 : i32
    return %arg0, %c0_i32 : i32, i32
  }
  func.func @transform_1(%arg0: i32, %arg1: i32) -> (i32, i32) {
    %c0_i32 = arith.constant 0 : i32
    %c0_i32_0 = arith.constant 0 : i32
    return %arg1, %c0_i32 : i32, i32
  }
  func.func @transform_2(%arg0: i32, %arg1: i32) -> (i32, i32) {
    %c0_i32 = arith.constant 0 : i32
    %c0_i32_0 = arith.constant 0 : i32
    return %arg0, %c0_i32 : i32, i32
  }
  func.func @transform_3(%arg0: i32, %arg1: i32) -> (i32, i32) {
    %c0_i32 = arith.constant 0 : i32
    %c0_i32_0 = arith.constant 0 : i32
    return %c0_i32, %arg1 : i32, i32
  }
  func.func @transform_4(%arg0: i32, %arg1: i32) -> (i32, i32) {
    %c0_i32 = arith.constant 0 : i32
    return %arg0, %arg1 : i32, i32
  }
  func.func @transform_5(%arg0: i32, %arg1: i32) -> (i32, i32) {
    %c0_i32 = arith.constant 0 : i32
    %c0_i32_0 = arith.constant 0 : i32
    return %arg0, %c0_i32 : i32, i32
  }
}

</mosaic_0001>

<sc_bundles>
// kernel: kernel.4.cloned.1.call-start
scs
__scs_entry_jumppad:
0x0: {  	(pc) =	sbr.rel $0x88, $3  }
0x1: {  	(tag) =	ssettag $0x0;
	lr =	simm.s32 $0x1  }
0x2: {  	[smem:$0x3F9F] =	sst lr;
	_ =	strace $0xD0000000  }
0x3: {  	_ = 	snop  }
0x4: {  	_ = 	snop  }
0x5: {  	_ = 	snop  }
0x6: {  	_ = 	snop  }
0x7: {  	_ = 	snop  }
__scs_overlays_trampoline_lowered:
0x8: {  	[smem:$0x3FAE] =	sst s0  }
0x9: {  	[smem:$0x3FAF] =	sst s1  }
0xa: {  	[smem:$0x3FB0] =	sst s2  }
0xb: {  	[smem:$0x3FB1] =	sst s3  }
0xc: {  	[smem:$0x3FB2] =	sst s4  }
0xd: {  	[smem:$0x3FB3] =	sst s5  }
0xe: {  	[smem:$0x3FB4] =	sst s6  }
0xf: {  	[smem:$0x3FB5] =	sst s7  }
0x10: {  	[smem:$0x3FB6] =	sst s8  }
0x11: {  	[smem:$0x3FB7] =	sst s9;
	s0 =	simm.s32 @!p0 $0x0  }
0x12: {  	s1 =	sld [smem:$0x3F9D];
	s0 =	simm.s32 @p0 $0x1  }
0x13: {  	[smem:$0x3FB8] =	sst s0;
	s0 =	simm.s32 @!p1 $0x0  }
0x14: {  	s2 =	sld [smem:$0x3F9C];
	s0 =	simm.s32 @p1 $0x1  }
0x15: {  	[smem:$0x3FB9] =	sst s0;
	s0 =	simm.s32 @!p2 $0x0  }
0x16: {  	s3 =	sld [smem:$0x3FDB];
	s0 =	simm.s32 @p2 $0x1  }
0x17: {  	s4 =	simm.s32 $0x1BF5;
	[smem:$0x3FBB] =	sst s0  }
0x18: {  	s0 =	sld [smem:$0x3F9E];
	_ =	swait.ge [sflag:s4], $0x0  }
0x19: {  	s7 =	sld [smem:$0x3F9F]  }
0x1a: {  	s8 =	sadd.s32 $0xFFFFE003, lr  }
0x1b: {  	s9 =	sadd.s32 $0xFFFFFEF7, lr;
	s5 =	simm.s32 $0xFFFFFFFF;
	p2 =	slt.u32 s8, $0xFFFFF086  }
0x1c: {  	p1 =	slt.u32 s9, $0xF7A;
	s5 =	simm.s32 @!p2 $0x0  }
0x1d: {  	s5 =	simm.s32 @p1 $0x1;
	p0 =	seq.s32 s7, s2  }
0x1e: {  	s7 =	smul.u32 @!p0 $0xF7A, s2;
	p2 =	seq.s32 @!p0 s5, $0x0  }
0x1f: {  	s9 =	smul.u32 $0xF7A, s1;
	s8 =	simm.s32 @!p0 $0x1BF5;
	p2 =	por !p2, p0  }
0x20: {  	[sflag:s8] =	ssyncset.s32 @!p0 $0xFFFFF086;
	s6 =	sadd.s32 @!p0 s3, s7;
	s7 =	simm.s32 @!p0 $0x108  }
0x21: {  	s3 =	sadd.s32 s3, s9;
	s6 =	sadd.s32 @!p0 $0x88, s6;
	s7 =	simm.s32 @p2 $0x1082  }
0x22: {  	[simem:s7], [sflag:s8] =	dma.local @!p0 [hbm:s6], $0xF7A  }
0x23: {  	s9 =	sor.u32 $0xD0000000, s2;
	s6 =	simm.s32 $0x108;
	_ =	swait.ge @!p0 [sflag:s8], $0x0  }
0x24: {  	s3 =	sadd.s32 $0x88, s3;
	s6 =	simm.s32 @!p1 $0x1082;
	[sflag:s4] =	ssyncset.s32 $0xFFFFF086  }
0x25: {  	[simem:s6], [sflag:s4] =	dma.local [hbm:s3], $0xF7A  }
0x26: {  	[smem:$0x3F9F] =	sst s1;
	(tag) =	ssettag s2;
	_ =	strace s9  }
0x27: {  	s1 =	sld [smem:$0x3FAF]  }
0x28: {  	s2 =	sld [smem:$0x3FB0]  }
0x29: {  	s4 =	sld [smem:$0x3FB2]  }
0x2a: {  	p0 =	seq.s32 s5, $0x0;
	s5 =	sld [smem:$0x3FB3]  }
0x2b: {  	s6 =	sld [smem:$0x3FB4]  }
0x2c: {  	s7 =	sld [smem:$0x3FB5]  }
0x2d: {  	s3 =	simm.s32 $0x108;
	s8 =	sld [smem:$0x3FB6]  }
0x2e: {  	s3 =	simm.s32 @!p0 $0x1082;
	s9 =	sld [smem:$0x3FB7]  }
0x2f: {  	lr =	sadd.s32 s0, s3;
	s0 =	sld [smem:$0x3FAE]  }
0x30: {  	s3 =	sld [smem:$0x3FB1]  }
0x31: {  	[smem:$0x3FBA] =	sst s10  }
0x32: {  	s10 =	sld [smem:$0x3FB8];
	_ =	sdelay $0x3  }
0x33: {  	p0 =	seq.s32 s10, $0x1;
	s10 =	sld [smem:$0x3FBA];
	_ =	sdelay $0x3  }
0x34: {  	[smem:$0x3FBA] =	sst s10  }
0x35: {  	s10 =	sld [smem:$0x3FB9];
	_ =	sdelay $0x3  }
0x36: {  	p1 =	seq.s32 s10, $0x1;
	s10 =	sld [smem:$0x3FBA];
	_ =	sdelay $0x3  }
0x37: {  	[smem:$0x3FBA] =	sst s10  }
0x38: {  	s10 =	sld [smem:$0x3FBB]  }
0x39: {  	_ = 	snop;
	(pc) =	sbr.ind lr, $3  }
0x3a: {  	_ = 	snop  }
0x3b: {  	_ = 	snop  }
0x3c: {  	p2 =	seq.s32 s10, $0x1;
	s10 =	sld [smem:$0x3FBA]  }
0x3d: {  	_ =	shalt  }
0x3e: {  	_ =	shalt  }
0x3f: {  	_ =	shalt  }
0x40: {  	_ =	shalt  }
0x41: {  	_ =	shalt  }
0x42: {  	_ =	shalt  }
0x43: {  	_ =	shalt  }
0x44: {  	_ =	shalt  }
0x45: {  	_ =	shalt  }
0x46: {  	_ =	shalt  }
0x47: {  	_ =	shalt  }
0x48: {  	_ =	shalt  }
0x49: {  	_ =	shalt  }
0x4a: {  	_ =	shalt  }
0x4b: {  	_ =	shalt  }
0x4c: {  	_ =	shalt  }
0x4d: {  	_ =	shalt  }
0x4e: {  	_ =	shalt  }
0x4f: {  	_ =	shalt  }
0x50: {  	_ =	shalt  }
0x51: {  	_ =	shalt  }
0x52: {  	_ =	shalt  }
0x53: {  	_ =	shalt  }
0x54: {  	_ =	shalt  }
0x55: {  	_ =	shalt  }
0x56: {  	_ =	shalt  }
0x57: {  	_ =	shalt  }
0x58: {  	_ =	shalt  }
0x59: {  	_ =	shalt  }
0x5a: {  	_ =	shalt  }
0x5b: {  	_ =	shalt  }
0x5c: {  	_ =	shalt  }
0x5d: {  	_ =	shalt  }
0x5e: {  	_ =	shalt  }
0x5f: {  	_ =	shalt  }
0x60: {  	_ =	shalt  }
0x61: {  	_ =	shalt  }
0x62: {  	_ =	shalt  }
0x63: {  	_ =	shalt  }
0x64: {  	_ =	shalt  }
0x65: {  	_ =	shalt  }
0x66: {  	_ =	shalt  }
0x67: {  	_ =	shalt  }
0x68: {  	_ =	shalt  }
0x69: {  	_ =	shalt  }
0x6a: {  	_ =	shalt  }
0x6b: {  	_ =	shalt  }
0x6c: {  	_ =	shalt  }
0x6d: {  	_ =	shalt  }
0x6e: {  	_ =	shalt  }
0x6f: {  	_ =	shalt  }
0x70: {  	_ =	shalt  }
0x71: {  	_ =	shalt  }
0x72: {  	_ =	shalt  }
0x73: {  	_ =	shalt  }
0x74: {  	_ =	shalt  }
0x75: {  	_ =	shalt  }
0x76: {  	_ =	shalt  }
0x77: {  	_ =	shalt  }
0x78: {  	_ =	shalt  }
0x79: {  	_ =	shalt  }
0x7a: {  	_ =	shalt  }
0x7b: {  	_ =	shalt  }
0x7c: {  	_ =	shalt  }
0x7d: {  	_ =	shalt  }
0x7e: {  	_ =	shalt  }
0x7f: {  	_ =	shalt  }
0x80: {  	_ =	shalt  }
0x81: {  	_ =	shalt  }
0x82: {  	_ =	shalt  }
0x83: {  	_ =	shalt  }
0x84: {  	_ =	shalt  }
0x85: {  	_ =	shalt  }
0x86: {  	_ =	shalt  }
0x87: {  	_ =	shalt  }
.Lfunc_end0:
.L_simem_size_0:
called_computation_lowered:
.L_overlay_start_0:
0x88: {  	s2 =	sld [smem:$0x3FD9]  }
0x89: {  	s3 =	sld [smem:$0x3FFE];
	_ =	sdelay $0x1  }
0x8a: {  	s1 =	srdreg.scid  }
0x8b: {  	s0 =	sand.u32 $0x1, s1  }
0x8c: {  	s14 =	sshll.u32 s0, $0xA;
	s2 =	sadd.s32 s3, s2  }
0x8d: {  	s2 =	sadd.s32 s2, s14  }
0x8e: {  	[smem:$0x3FC6] =	sst s2  }
0x8f: {  	_ = 	snop  }
0x90: {  	s2 =	sld [smem:$0x3FD0];
	_ =	sdelay $0x2  }
0x91: {  	s15 =	simm.s32 $0xA;
	s4 =	simm.s32 $0x10  }
0x92: {  	[smem:s4], [sflag:s15] =	dma.local [hbm:s2], $0x1  }
0x93: {  	_ =	swait.eq [sflag:s15], $0x1  }
0x94: {  	[sflag:s15] =	ssyncset.done $0x0  }
0x95: {  	[sflag:s15] =	ssyncadd.s32 $0xFFFFFFFF  }
0x96: {  	s16 =	sld [smem:$0x13];
	(tm) =	ssettm $0x1  }
0x97: {  	s17 =	sld [smem:$0x3FFB];
	_ =	sdelay $0x3  }
0x98: {  	_ =	strace s17  }
0x99: {  	s3 =	sld [smem:$0x3FFC];
	_ =	sdelay $0x3  }
0x9a: {  	_ =	strace s3  }
0x9b: {  	s3 =	sld [smem:$0x3FFD];
	_ =	sdelay $0x3  }
0x9c: {  	_ =	strace s3  }
0x9d: {  	_ =	strace $0x8FFFFFFF  }
0x9e: {  	s18 =	sld [smem:$0x3FDB];
	_ =	sdelay $0x1  }
0x9f: {  	s19 =	simm.s32 $_scs_section_size  }
0xa0: {  	s5 =	simm.s32 $_size__tile_overlayer_lowered;
	s6 =	simm.s32 $_tile_overlayer_lowered  }
0xa1: {  	s22 =	simm.s32 $0x1BFF;
	s21 =	sshll.u32 s6, $0x1;
	s3 =	sadd.s32 s19, s18  }
0xa2: {  	s7 =	simm.s32 $0x0;
	s20 =	sshll.u32 s5, $0x1;
	s5 =	sadd.s32 s21, s3  }
0xa3: {  	[timem:s7], [sflag:s22] =	dma.local [hbm:s5], s20  }
0xa4: {  	_ =	swait.ge [sflag:s22], s20  }
0xa5: {  	s4 =	ssub.s32 $0x0, s20;
	[sflag:s22] =	ssyncset.done $0x0  }
0xa6: {  	[sflag:s22] =	ssyncadd.s32 s4;
	_ =	sdelay $0x1  }
0xa7: {  	s23 =	simm.s32 $0x1B8B  }
0xa8: {  	_ =	swait.ge [sflag:s23], $0x1  }
0xa9: {  	[sflag:s23] =	ssyncset.done $0x0  }
0xaa: {  	s25 =	simm.s32 $0x1B8E;
	s24 =	sld [smem:$0x3FFE];
	[sflag:s23] =	ssyncadd.s32 $0xFFFFFFFF  }
0xab: {  	s26 =	simm.s32 $execute0_lowered;
	[smem:$0x3FD2] =	sst s25  }
0xac: {  	s5 =	sshll.u32 s26, $0x1;
	_ =	strace $0x80000046;
	[dreg:$0x1] =	wrdreg $0xFFFFFFFF  }
0xad: {  	s28 =	simm.s32 $_size_execute0_lowered;
	s3 =	sadd.s32 s3, s5;
	[dreg:$0x0] =	wrdreg $0x0  }
0xae: {  	s5 =	sshll.u32 s28, $0x1;
	[dreg:$0x2] =	wrdreg s3  }
0xaf: {  	[dreg:$0x3] =	wrdreg s5  }
0xb0: {  	[dreg:$0x4] =	wrdreg $0xC0  }
0xb1: {  	_ =	task [dreg:s7], $0x5FFFF  }
0xb2: {  	[dreg:$0x1] =	wrdreg $0xFFFFFFFF  }
0xb3: {  	[dreg:$0x0] =	wrdreg $0x60  }
0xb4: {  	[dreg:$0x2] =	wrdreg s16  }
0xb5: {  	[dreg:$0x3] =	wrdreg s24  }
0xb6: {  	[dreg:$0x4] =	wrdreg $0x9  }
0xb7: {  	_ =	task.clear_ibuf [dreg:s7], $0x5FFFF;
	_ =	strace $0x90000046  }
0xb8: {  	s29 =	simm.s32 $0x9;
	_ =	strace $0x80000048  }
0xb9: {  	_ =	swait.ge [sflag:s29], $0x1  }
0xba: {  	[sflag:s29] =	ssyncadd.s32 $0xFFFFFFFF  }
0xbb: {  	_ =	strace $0x90000048  }
0xbc: {  	_ =	sfence  }
0xbd: {  	s30 =	sld [smem:$0x0];
	_ =	sdelay $0x2  }
0xbe: {  	s31 =	sshll.u32 s1, $0xD;
	s1 =	sshrl.u32 s1, $0x2  }
0xbf: {  	s3 =	sand.u32 $0x4000, s31;
	s1 =	sadd.s32 s1, s30  }
0xc0: {  	s0 =	sor.u32 s3, s0;
	s1 =	sshll.u32 s1, $0x11  }
0xc1: {  	s0 =	sor.u32 s1, s0  }
0xc2: {  	s0 =	sadd.s32 $0x8F2B, s0  }
0xc3: {  	[sflag:s0] =	ssyncadd.remote.s32 $0x1  }
0xc4: {  	_ =	sfence.sel $0xFFFF  }
0xc5: {  	[dreg:$0x0] =	wrdreg $0xFFFFFFFF;
	(pc) =	sbr.abs _section_cstart, $3  }
0xc6: {  	[dreg:$0x1] =	wrdreg $0xFFFFFFFF  }
0xc7: {  	_ =	task.clear_ibuf [dreg:s7], $0x2FFFF;
	_ =	strace $0x9FFFFFFF  }
0xc8: {  	(tm) =	ssettm $0x7FFFFFFF  }
0xc9: {  	_ =	shalt  }
tec
execute0_lowered:
.L_overlay_start_1:
0x0: {  	(tag) =	ssettag $0x1  }
0x1: {  	s1 =	srdreg.scid;
	s0 =	stileid.u32  }
0x2: {  	s6 =	sand.u32 $0x1, s1;
	s19 =	sshll.u32 s0, $0x1  }
0x3: {  	s4 =	sor.u32 s6, s19  }
0x4: {  	v0 =	vlaneseq.u32;
	v17 =	vimm.f32 $1.000000000e+00;
	s5 =	sshll.u32 s4, $0x8  }
0x5: {  	vm0 =	vmmov $0xffff;
	v15 =	vmul.u32 $0x2000, v0;
	v1 =	vmov s5;
	s20 =	sor.u32 $0x10, s5;
	s2 =	sor.u32 $0x20, s5  }
0x6: {  	s3 =	sor.u32 $0x30, s5;
	s21 =	sor.u32 $0x40, s5;
	s22 =	sor.u32 $0x50, s5;
	v0 =	vshll.u32 v1, $0xD;
	v1 =	vmov s20;
	v2 =	vmov s2  }
0x7: {  	s23 =	sor.u32 $0x60, s5;
	s24 =	sor.u32 $0x70, s5;
	s25 =	sor.u32 $0x80, s5;
	v3 =	vmov s3;
	v4 =	vmov s21;
	v5 =	vmov s22  }
0x8: {  	s26 =	sor.u32 $0x90, s5;
	s8 =	sor.u32 $0xA0, s5;
	s9 =	sor.u32 $0xB0, s5;
	v6 =	vmov s23;
	v7 =	vmov s24;
	v8 =	vmov s25  }
0x9: {  	s10 =	sor.u32 $0xC0, s5;
	s29 =	sor.u32 $0xD0, s5;
	s30 =	sor.u32 $0xE0, s5;
	v9 =	vmov s26;
	v10 =	vmov s8;
	v11 =	vmov s9  }
0xa: {  	s5 =	sor.u32 $0xF0, s5;
	v12 =	vmov s10;
	v13 =	vmov s29;
	v14 =	vmov s30  }
0xb: {  	v16 =	vmov s5;
	v0 =	vor.u32 v15, v0;
	v1 =	vshll.u32 v1, $0xD  }
0xc: {  	v2 =	vshll.u32 v2, $0xD;
	v3 =	vshll.u32 v3, $0xD;
	v4 =	vshll.u32 v4, $0xD  }
0xd: {  	v5 =	vshll.u32 v5, $0xD;
	v6 =	vshll.u32 v6, $0xD;
	v7 =	vshll.u32 v7, $0xD  }
0xe: {  	v8 =	vshll.u32 v8, $0xD;
	v9 =	vshll.u32 v9, $0xD;
	v10 =	vshll.u32 v10, $0xD  }
0xf: {  	s7 =	rddreg [dreg:$0x0];
	v11 =	vshll.u32 v11, $0xD;
	v12 =	vshll.u32 v12, $0xD;
	v13 =	vshll.u32 v13, $0xD  }
0x10: {  	s11 =	simm.s32 $0x2;
	s12 =	simm.s32 $0x0;
	s6 =	ssub.s32 $0x2, s6;
	v14 =	vshll.u32 v14, $0xD;
	v16 =	vshll.u32 v16, $0xD;
	v1 =	vor.u32 v15, v1  }
0x11: {  	s1 =	rddreg [dreg:$0x1];
	s28 =	sshrl.u32 s6, $0x1;
	s31 =	sshll.u32 s4, $0x5;
	v2 =	vor.u32 v15, v2;
	v3 =	vor.u32 v15, v3;
	v4 =	vor.u32 v15, v4  }
0x12: {  	s4 =	sshll.u32 s4, $0x12;
	s6 =	ssub.s32 s6, s28;
	s2 =	rddreg [dreg:$0x2];
	v5 =	vor.u32 v15, v5;
	v6 =	vor.u32 v15, v6;
	v7 =	vor.u32 v15, v7  }
0x13: {  	s3 =	simm.s32 $0x0;
	s5 =	sadd.s32 s7, s31;
	s6 =	smax.u32 s6, $0x1;
	v8 =	vor.u32 v15, v8;
	v9 =	vor.u32 v15, v9;
	v10 =	vor.u32 v15, v10  }
0x14: {  	s7 =	simm.s32 $0x10000;
	s8 =	simm.s32 $0x3;
	[smem:$0x7FF] =	sst s3;
	v11 =	vor.u32 v15, v11;
	v12 =	vor.u32 v15, v12;
	v13 =	vor.u32 v15, v13  }
0x15: {  	s9 =	simm.s32 $0x1;
	s10 =	simm.s32 $0x10100;
	_ =	strace $0x80000047;
	v14 =	vor.u32 v15, v14;
	v15 =	vor.u32 v15, v16;
	v16 =	vimm.f32 $0.0e+00  }
.LBB2_1:
0x16: {  	s13 =	simm.s32 $0x0;
	s14 =	simm.s32 $0x200  }
.LBB2_2:
0x17: {  	p0 =	sne.s32 s14, $0x3FE00;
	[tilespmem:s13+$0x70] =	vst v16  }
0x18: {  	[tilespmem:s13+$0x0] =	vst v16  }
0x19: {  	[tilespmem:s13+$0x10] =	vst v16  }
.Ltmp0:
0x1a: {  	[tilespmem:s13+$0x20] =	vst v16;
	(pc) =	sbr.rel @p0 .LBB2_2-.Ltmp0, $4  }
0x1b: {  	[tilespmem:s13+$0x30] =	vst v16  }
0x1c: {  	[tilespmem:s13+$0x40] =	vst v16  }
0x1d: {  	[tilespmem:s13+$0x50] =	vst v16  }
0x1e: {  	[tilespmem:s13+$0x60] =	vst v16;
	s13 =	sshra.s32 s14, $0x2;
	s14 =	sadd.s32 $0x200, s14  }
0x1f: {  	[tilespmem:s13+$0x70] =	vst v16  }
0x20: {  	[tilespmem:s13+$0x0] =	vst v16  }
0x21: {  	[tilespmem:s13+$0x10] =	vst v16  }
0x22: {  	[tilespmem:s13+$0x20] =	vst v16  }
0x23: {  	[tilespmem:s13+$0x30] =	vst v16  }
0x24: {  	[tilespmem:s13+$0x40] =	vst v16  }
0x25: {  	[tilespmem:s13+$0x50] =	vst v16  }
0x26: {  	[tilespmem:s13+$0x60] =	vst v16  }
0x27: {  	s13 =	simm.s32 $0x0;
	[tilespmem:$0x10100] =	vst v17  }
0x28: {  	[tilespmem:s7], [sflag:$0x3] =	stream.linear.gather [hbm4b:s5+s13], $0x100, $0x38;
	[tilespmem:$0x10180] =	vst v63  }
0x29: {  	_ =	swait.ge [sflag:s8], $0x100  }
0x2a: {  	[sflag:s8] =	ssyncset.done $0x0  }
0x2b: {  	p0 =	por $0x1, $0x1;
	[sflag:s8] =	ssyncadd.s32 $0xFFFFFF00  }
.LBB2_4:
0x2c: {  	s13 =	sor.u32 s4, s13  }
0x2d: {  	s13 =	sadd.s32 s1, s13  }
0x2e: {  	[hbm4b:s13+s3] =	stream.linear.scatter [tilespmem:s3], [sflag:$0x1], $0x10000, $0x38;
	[tilespmem:$0x10180] =	vst v63  }
0x2f: {  	s14 =	sadd.s32 $0x2000, s13  }
0x30: {  	[hbm4b:s14+s3] =	stream.linear.scatter [tilespmem:s3], [sflag:$0x1], $0x10000, $0x38;
	[tilespmem:$0x10180] =	vst v63  }
0x31: {  	s18 =	sadd.s32 $0x4000, s13  }
0x32: {  	[hbm4b:s18+s3] =	stream.linear.scatter [tilespmem:s3], [sflag:$0x1], $0x10000, $0x38;
	[tilespmem:$0x10180] =	vst v63  }
0x33: {  	s19 =	sadd.s32 $0x6000, s13  }
0x34: {  	[hbm4b:s19+s3] =	stream.linear.scatter [tilespmem:s3], [sflag:$0x1], $0x10000, $0x38;
	[tilespmem:$0x10180] =	vst v63  }
0x35: {  	s20 =	sadd.s32 $0x8000, s13  }
0x36: {  	[hbm4b:s20+s3] =	stream.linear.scatter [tilespmem:s3], [sflag:$0x1], $0x10000, $0x38;
	[tilespmem:$0x10180] =	vst v63  }
0x37: {  	s21 =	sadd.s32 $0xA000, s13  }
0x38: {  	[hbm4b:s21+s3] =	stream.linear.scatter [tilespmem:s3], [sflag:$0x1], $0x10000, $0x38;
	[tilespmem:$0x10180] =	vst v63  }
0x39: {  	s22 =	sadd.s32 $0xC000, s13  }
0x3a: {  	[hbm4b:s22+s3] =	stream.linear.scatter [tilespmem:s3], [sflag:$0x1], $0x10000, $0x38;
	[tilespmem:$0x10180] =	vst v63  }
0x3b: {  	s23 =	sadd.s32 $0xE000, s13  }
0x3c: {  	[hbm4b:s23+s3] =	stream.linear.scatter [tilespmem:s3], [sflag:$0x1], $0x10000, $0x38;
	[tilespmem:$0x10180] =	vst v63  }
0x3d: {  	s24 =	sadd.s32 $0x10000, s13  }
0x3e: {  	[hbm4b:s24+s3] =	stream.linear.scatter [tilespmem:s3], [sflag:$0x1], $0x10000, $0x38;
	[tilespmem:$0x10180] =	vst v63  }
0x3f: {  	s25 =	sadd.s32 $0x12000, s13  }
0x40: {  	[hbm4b:s25+s3] =	stream.linear.scatter [tilespmem:s3], [sflag:$0x1], $0x10000, $0x38;
	[tilespmem:$0x10180] =	vst v63  }
0x41: {  	s26 =	sadd.s32 $0x14000, s13  }
0x42: {  	[hbm4b:s26+s3] =	stream.linear.scatter [tilespmem:s3], [sflag:$0x1], $0x10000, $0x38;
	[tilespmem:$0x10180] =	vst v63  }
0x43: {  	s28 =	sadd.s32 $0x16000, s13  }
0x44: {  	[hbm4b:s28+s3] =	stream.linear.scatter [tilespmem:s3], [sflag:$0x1], $0x10000, $0x38;
	[tilespmem:$0x10180] =	vst v63  }
0x45: {  	s29 =	sadd.s32 $0x18000, s13  }
0x46: {  	[hbm4b:s29+s3] =	stream.linear.scatter [tilespmem:s3], [sflag:$0x1], $0x10000, $0x38;
	[tilespmem:$0x10180] =	vst v63  }
0x47: {  	s30 =	sadd.s32 $0x1A000, s13  }
0x48: {  	[hbm4b:s30+s3] =	stream.linear.scatter [tilespmem:s3], [sflag:$0x1], $0x10000, $0x38;
	[tilespmem:$0x10180] =	vst v63  }
0x49: {  	s31 =	sadd.s32 $0x1C000, s13  }
0x4a: {  	[hbm4b:s31+s3] =	stream.linear.scatter [tilespmem:s3], [sflag:$0x1], $0x10000, $0x38;
	[tilespmem:$0x10180] =	vst v63  }
0x4b: {  	s13 =	sadd.s32 $0x1E000, s13  }
0x4c: {  	[hbm4b:s13+s3] =	stream.linear.scatter [tilespmem:s3], [sflag:$0x1], $0x10000, $0x38;
	[tilespmem:$0x10180] =	vst v63  }
0x4d: {  	_ =	swait.ge [sflag:s9], $0x10000  }
0x4e: {  	[sflag:s9] =	ssyncset.done $0x0  }
0x4f: {  	[sflag:s9] =	ssyncadd.s32 $0xFFFF0000  }
0x50: {  	_ =	swait.ge [sflag:s9], $0x10000  }
0x51: {  	[sflag:s9] =	ssyncset.done $0x0  }
0x52: {  	[sflag:s9] =	ssyncadd.s32 $0xFFFF0000  }
0x53: {  	_ =	swait.ge [sflag:s9], $0x10000  }
0x54: {  	[sflag:s9] =	ssyncset.done $0x0  }
0x55: {  	[sflag:s9] =	ssyncadd.s32 $0xFFFF0000  }
0x56: {  	_ =	swait.ge [sflag:s9], $0x10000  }
0x57: {  	[sflag:s9] =	ssyncset.done $0x0  }
0x58: {  	[sflag:s9] =	ssyncadd.s32 $0xFFFF0000  }
0x59: {  	_ =	swait.ge [sflag:s9], $0x10000  }
0x5a: {  	[sflag:s9] =	ssyncset.done $0x0  }
0x5b: {  	[sflag:s9] =	ssyncadd.s32 $0xFFFF0000  }
0x5c: {  	_ =	swait.ge [sflag:s9], $0x10000  }
0x5d: {  	[sflag:s9] =	ssyncset.done $0x0  }
0x5e: {  	[sflag:s9] =	ssyncadd.s32 $0xFFFF0000  }
0x5f: {  	_ =	swait.ge [sflag:s9], $0x10000  }
0x60: {  	[sflag:s9] =	ssyncset.done $0x0  }
0x61: {  	[sflag:s9] =	ssyncadd.s32 $0xFFFF0000  }
0x62: {  	_ =	swait.ge [sflag:s9], $0x10000  }
0x63: {  	[sflag:s9] =	ssyncset.done $0x0  }
0x64: {  	[sflag:s9] =	ssyncadd.s32 $0xFFFF0000  }
0x65: {  	_ =	swait.ge [sflag:s9], $0x10000  }
0x66: {  	[sflag:s9] =	ssyncset.done $0x0  }
0x67: {  	[sflag:s9] =	ssyncadd.s32 $0xFFFF0000  }
0x68: {  	_ =	swait.ge [sflag:s9], $0x10000  }
0x69: {  	[sflag:s9] =	ssyncset.done $0x0  }
0x6a: {  	[sflag:s9] =	ssyncadd.s32 $0xFFFF0000  }
0x6b: {  	_ =	swait.ge [sflag:s9], $0x10000  }
0x6c: {  	[sflag:s9] =	ssyncset.done $0x0  }
0x6d: {  	[sflag:s9] =	ssyncadd.s32 $0xFFFF0000  }
0x6e: {  	_ =	swait.ge [sflag:s9], $0x10000  }
0x6f: {  	[sflag:s9] =	ssyncset.done $0x0  }
0x70: {  	[sflag:s9] =	ssyncadd.s32 $0xFFFF0000  }
0x71: {  	_ =	swait.ge [sflag:s9], $0x10000  }
0x72: {  	[sflag:s9] =	ssyncset.done $0x0  }
0x73: {  	[sflag:s9] =	ssyncadd.s32 $0xFFFF0000  }
0x74: {  	_ =	swait.ge [sflag:s9], $0x10000  }
0x75: {  	[sflag:s9] =	ssyncset.done $0x0  }
0x76: {  	[sflag:s9] =	ssyncadd.s32 $0xFFFF0000  }
0x77: {  	p1 =	por p0, p0;
	_ =	swait.ge [sflag:s9], $0x10000  }
.Ltmp1:
0x78: {  	[sflag:s9] =	ssyncset.done $0x0;
	(pc) =	sbr.rel @p1 .LBB2_4-.Ltmp1, $4  }
0x79: {  	[sflag:s9] =	ssyncadd.s32 $0xFFFF0000  }
0x7a: {  	_ =	swait.ge [sflag:s9], $0x10000  }
0x7b: {  	[sflag:s9] =	ssyncset.done $0x0  }
0x7c: {  	p0 =	por $0x0, $0x0;
	s13 =	simm.s32 $0x20000;
	[sflag:s9] =	ssyncadd.s32 $0xFFFF0000  }
0x7d: {  	v18 =	vld [tilespmem:$0x10000];
	_ =	sdelay $0x4  }
0x7e: {  	v18 =	vadd.s32 v0, v18;
	_ =	sdelay $0x4  }
0x7f: {  	[hbm4b:s1+s3] =	stream.indirect_vreg.scatter [tilespmem:s10], [sflag:$0x2], $0x1, v18, vm0, $0xb8;
	[tilespmem:$0x10180] =	vst v63  }
0x80: {  	_ =	swait.ge [sflag:s11], $0x10  }
0x81: {  	[sflag:s11] =	ssyncset.done $0x0  }
0x82: {  	[sflag:s11] =	ssyncadd.s32 $0xFFFFFFF0  }
0x83: {  	v18 =	vld [tilespmem:$0x10010];
	_ =	sdelay $0x4  }
0x84: {  	v18 =	vadd.s32 v1, v18;
	_ =	sdelay $0x4  }
0x85: {  	[hbm4b:s1+s3] =	stream.indirect_vreg.scatter [tilespmem:s10], [sflag:$0x2], $0x1, v18, vm0, $0xb8;
	[tilespmem:$0x10180] =	vst v63  }
0x86: {  	_ =	swait.ge [sflag:s11], $0x10  }
0x87: {  	[sflag:s11] =	ssyncset.done $0x0  }
0x88: {  	[sflag:s11] =	ssyncadd.s32 $0xFFFFFFF0  }
0x89: {  	v18 =	vld [tilespmem:$0x10020];
	_ =	sdelay $0x4  }
0x8a: {  	v18 =	vadd.s32 v2, v18;
	_ =	sdelay $0x4  }
0x8b: {  	[hbm4b:s1+s3] =	stream.indirect_vreg.scatter [tilespmem:s10], [sflag:$0x2], $0x1, v18, vm0, $0xb8;
	[tilespmem:$0x10180] =	vst v63  }
0x8c: {  	_ =	swait.ge [sflag:s11], $0x10  }
0x8d: {  	[sflag:s11] =	ssyncset.done $0x0  }
0x8e: {  	[sflag:s11] =	ssyncadd.s32 $0xFFFFFFF0  }
0x8f: {  	v18 =	vld [tilespmem:$0x10030];
	_ =	sdelay $0x4  }
0x90: {  	v18 =	vadd.s32 v3, v18;
	_ =	sdelay $0x4  }
0x91: {  	[hbm4b:s1+s3] =	stream.indirect_vreg.scatter [tilespmem:s10], [sflag:$0x2], $0x1, v18, vm0, $0xb8;
	[tilespmem:$0x10180] =	vst v63  }
0x92: {  	_ =	swait.ge [sflag:s11], $0x10  }
0x93: {  	[sflag:s11] =	ssyncset.done $0x0  }
0x94: {  	[sflag:s11] =	ssyncadd.s32 $0xFFFFFFF0  }
0x95: {  	v18 =	vld [tilespmem:$0x10040];
	_ =	sdelay $0x4  }
0x96: {  	v18 =	vadd.s32 v4, v18;
	_ =	sdelay $0x4  }
0x97: {  	[hbm4b:s1+s3] =	stream.indirect_vreg.scatter [tilespmem:s10], [sflag:$0x2], $0x1, v18, vm0, $0xb8;
	[tilespmem:$0x10180] =	vst v63  }
0x98: {  	_ =	swait.ge [sflag:s11], $0x10  }
0x99: {  	[sflag:s11] =	ssyncset.done $0x0  }
0x9a: {  	[sflag:s11] =	ssyncadd.s32 $0xFFFFFFF0  }
0x9b: {  	v18 =	vld [tilespmem:$0x10050];
	_ =	sdelay $0x4  }
0x9c: {  	v18 =	vadd.s32 v5, v18;
	_ =	sdelay $0x4  }
0x9d: {  	[hbm4b:s1+s3] =	stream.indirect_vreg.scatter [tilespmem:s10], [sflag:$0x2], $0x1, v18, vm0, $0xb8;
	[tilespmem:$0x10180] =	vst v63  }
0x9e: {  	_ =	swait.ge [sflag:s11], $0x10  }
0x9f: {  	[sflag:s11] =	ssyncset.done $0x0  }
0xa0: {  	[sflag:s11] =	ssyncadd.s32 $0xFFFFFFF0  }
0xa1: {  	v18 =	vld [tilespmem:$0x10060];
	_ =	sdelay $0x4  }
0xa2: {  	v18 =	vadd.s32 v6, v18;
	_ =	sdelay $0x4  }
0xa3: {  	[hbm4b:s1+s3] =	stream.indirect_vreg.scatter [tilespmem:s10], [sflag:$0x2], $0x1, v18, vm0, $0xb8;
	[tilespmem:$0x10180] =	vst v63  }
0xa4: {  	_ =	swait.ge [sflag:s11], $0x10  }
0xa5: {  	[sflag:s11] =	ssyncset.done $0x0  }
0xa6: {  	[sflag:s11] =	ssyncadd.s32 $0xFFFFFFF0  }
0xa7: {  	v18 =	vld [tilespmem:$0x10070];
	_ =	sdelay $0x4  }
0xa8: {  	v18 =	vadd.s32 v7, v18;
	_ =	sdelay $0x4  }
0xa9: {  	[hbm4b:s1+s3] =	stream.indirect_vreg.scatter [tilespmem:s10], [sflag:$0x2], $0x1, v18, vm0, $0xb8;
	[tilespmem:$0x10180] =	vst v63  }
0xaa: {  	_ =	swait.ge [sflag:s11], $0x10  }
0xab: {  	[sflag:s11] =	ssyncset.done $0x0  }
0xac: {  	[sflag:s11] =	ssyncadd.s32 $0xFFFFFFF0  }
0xad: {  	v18 =	vld [tilespmem:$0x10080];
	_ =	sdelay $0x4  }
0xae: {  	v18 =	vadd.s32 v8, v18;
	_ =	sdelay $0x4  }
0xaf: {  	[hbm4b:s1+s3] =	stream.indirect_vreg.scatter [tilespmem:s10], [sflag:$0x2], $0x1, v18, vm0, $0xb8;
	[tilespmem:$0x10180] =	vst v63  }
0xb0: {  	_ =	swait.ge [sflag:s11], $0x10  }
0xb1: {  	[sflag:s11] =	ssyncset.done $0x0  }
0xb2: {  	[sflag:s11] =	ssyncadd.s32 $0xFFFFFFF0  }
0xb3: {  	v18 =	vld [tilespmem:$0x10090];
	_ =	sdelay $0x4  }
0xb4: {  	v18 =	vadd.s32 v9, v18;
	_ =	sdelay $0x4  }
0xb5: {  	[hbm4b:s1+s3] =	stream.indirect_vreg.scatter [tilespmem:s10], [sflag:$0x2], $0x1, v18, vm0, $0xb8;
	[tilespmem:$0x10180] =	vst v63  }
0xb6: {  	_ =	swait.ge [sflag:s11], $0x10  }
0xb7: {  	[sflag:s11] =	ssyncset.done $0x0  }
0xb8: {  	[sflag:s11] =	ssyncadd.s32 $0xFFFFFFF0  }
0xb9: {  	v18 =	vld [tilespmem:$0x100A0];
	_ =	sdelay $0x4  }
0xba: {  	v18 =	vadd.s32 v10, v18;
	_ =	sdelay $0x4  }
0xbb: {  	[hbm4b:s1+s3] =	stream.indirect_vreg.scatter [tilespmem:s10], [sflag:$0x2], $0x1, v18, vm0, $0xb8;
	[tilespmem:$0x10180] =	vst v63  }
0xbc: {  	_ =	swait.ge [sflag:s11], $0x10  }
0xbd: {  	[sflag:s11] =	ssyncset.done $0x0  }
0xbe: {  	[sflag:s11] =	ssyncadd.s32 $0xFFFFFFF0  }
0xbf: {  	v18 =	vld [tilespmem:$0x100B0];
	_ =	sdelay $0x4  }
0xc0: {  	v18 =	vadd.s32 v11, v18;
	_ =	sdelay $0x4  }
0xc1: {  	[hbm4b:s1+s3] =	stream.indirect_vreg.scatter [tilespmem:s10], [sflag:$0x2], $0x1, v18, vm0, $0xb8;
	[tilespmem:$0x10180] =	vst v63  }
0xc2: {  	_ =	swait.ge [sflag:s11], $0x10  }
0xc3: {  	[sflag:s11] =	ssyncset.done $0x0  }
0xc4: {  	[sflag:s11] =	ssyncadd.s32 $0xFFFFFFF0  }
0xc5: {  	v18 =	vld [tilespmem:$0x100C0];
	_ =	sdelay $0x4  }
0xc6: {  	v18 =	vadd.s32 v12, v18;
	_ =	sdelay $0x4  }
0xc7: {  	[hbm4b:s1+s3] =	stream.indirect_vreg.scatter [tilespmem:s10], [sflag:$0x2], $0x1, v18, vm0, $0xb8;
	[tilespmem:$0x10180] =	vst v63  }
0xc8: {  	_ =	swait.ge [sflag:s11], $0x10  }
0xc9: {  	[sflag:s11] =	ssyncset.done $0x0  }
0xca: {  	[sflag:s11] =	ssyncadd.s32 $0xFFFFFFF0  }
0xcb: {  	v18 =	vld [tilespmem:$0x100D0];
	_ =	sdelay $0x4  }
0xcc: {  	v18 =	vadd.s32 v13, v18;
	_ =	sdelay $0x4  }
0xcd: {  	[hbm4b:s1+s3] =	stream.indirect_vreg.scatter [tilespmem:s10], [sflag:$0x2], $0x1, v18, vm0, $0xb8;
	[tilespmem:$0x10180] =	vst v63  }
0xce: {  	_ =	swait.ge [sflag:s11], $0x10  }
0xcf: {  	[sflag:s11] =	ssyncset.done $0x0  }
0xd0: {  	[sflag:s11] =	ssyncadd.s32 $0xFFFFFFF0  }
0xd1: {  	v18 =	vld [tilespmem:$0x100E0];
	_ =	sdelay $0x4  }
0xd2: {  	v18 =	vadd.s32 v14, v18;
	_ =	sdelay $0x4  }
0xd3: {  	[hbm4b:s1+s3] =	stream.indirect_vreg.scatter [tilespmem:s10], [sflag:$0x2], $0x1, v18, vm0, $0xb8;
	[tilespmem:$0x10180] =	vst v63  }
0xd4: {  	_ =	swait.ge [sflag:s11], $0x10  }
0xd5: {  	[sflag:s11] =	ssyncset.done $0x0  }
0xd6: {  	[sflag:s11] =	ssyncadd.s32 $0xFFFFFFF0  }
0xd7: {  	v18 =	vld [tilespmem:$0x100F0];
	_ =	sdelay $0x4  }
0xd8: {  	v18 =	vadd.s32 v15, v18;
	_ =	sdelay $0x1  }
0xd9: {  	s12 =	sadd.s32 $0x1, s12  }
0xda: {  	p0 =	sne.s32 s12, s6  }
.Ltmp2:
0xdb: {  	_ = 	snop;
	(pc) =	sbr.rel @p0 .LBB2_1-.Ltmp2, $4  }
0xdc: {  	[hbm4b:s1+s3] =	stream.indirect_vreg.scatter [tilespmem:s10], [sflag:$0x2], $0x1, v18, vm0, $0xb8;
	[tilespmem:$0x10180] =	vst v63  }
0xdd: {  	_ =	swait.ge [sflag:s11], $0x10  }
0xde: {  	[sflag:s11] =	ssyncset.done $0x0  }
0xdf: {  	[sflag:s11] =	ssyncadd.s32 $0xFFFFFFF0  }
0xe0: {  	_ =	sfence.sel $0x180000  }
0xe1: {  	[bflag:$0x0] =	sbarrier.arrive $0xFFFF  }
0xe2: {  	p0 =	sne.s32 s0, $0x0;
	_ =	strace $0x90000047  }
0xe3: {  	s0 =	sadd.s32 @!p0 $0x100000, s2;
	[bflag:$0x2] =	sbarrier.arrive $0xFFFF  }
0xe4: {  	[sflag:s0] =	ssyncadd.tile.s32 @!p0 $0x1;
	_ =	shalt  }
.Lfunc_end2:
_tile_overlayer_lowered:
.L_overlay_start_2:
0xe5: {  	(tag) =	ssettag $0x2  }
0xe6: {  	s0 =	rddreg [dreg:$0x0];
	s2 =	stileid.u32  }
0xe7: {  	s1 =	rddreg [dreg:$0x1];
	p0 =	sne.s32 s2, $0x0  }
0xe8: {  	s3 =	rddreg [dreg:$0x2];
	[bflag:$0x3] =	sbarrier.arrive $0xFFFF;
	s2 =	simm.s32 @!p0 $0x1C03  }
0xe9: {  	[timem:s3], [sflag:s2] =	dma.local @!p0 [hbm:s0], s1  }
0xea: {  	s0 =	simm.s32 @!p0 $0x3  }
0xeb: {  	_ =	swait.ge @!p0 [sflag:s0], s1  }
0xec: {  	s1 =	ssub.s32 @!p0 $0x0, s1;
	[sflag:s0] =	ssyncset.done @!p0 $0x0  }
0xed: {  	[sflag:s0] =	ssyncadd.s32 @!p0 s1  }
0xee: {  	[bflag:$0x3] =	sbarrier.arrive $0xFFFF  }
0xef: {  	_ =	shalt  }

</sc_bundles>
